<compile_context>
chip_gen: v7x
topology: tpu7x:2x2x1
jax: 0.10.2.dev20260603
libtpu: 0.0.44.dev20260713+nightly
codegen_flags: <defaults>
</compile_context>

<pallas_src>
import functools

import jax
import jax.numpy as jnp
from jax import lax
from jax.experimental import pallas as pl
from jax.experimental.pallas import tpu as pltpu
from jax.experimental.pallas import tpu_sc as plsc

N, E, D, H, O = 10000, 320000, 128, 64, 2
H2 = 2 * H
NC, NS = 2, 16
NW = NC * NS
EPW = E // NW
CHUNK = 125
NCHUNK = EPW // CHUNK
DEG_T = 10
DEG_R = N // DEG_T


def _project_body(x_ref, wl_ref, wr_ref, bl_ref, yr_ref):
    xb = x_ref[...]
    y = jnp.dot(xb, wl_ref[...], preferred_element_type=jnp.float32)
    r = (
        jnp.dot(xb, wr_ref[...], preferred_element_type=jnp.float32)
        + bl_ref[...][None, :]
    )
    yr_ref[...] = jnp.concatenate([y, r], axis=1)


def _project(x, W_l, W_r, b_l):
    BN = 2000
    return pl.pallas_call(
        _project_body,
        grid=(N // BN,),
        in_specs=[
            pl.BlockSpec((BN, D), lambda i: (i, 0)),
            pl.BlockSpec((D, H), lambda i: (0, 0)),
            pl.BlockSpec((D, H), lambda i: (0, 0)),
            pl.BlockSpec((H,), lambda i: (0,)),
        ],
        out_specs=pl.BlockSpec((BN, H2), lambda i: (i, 0)),
        out_shape=jax.ShapeDtypeStruct((N, H2), jnp.float32),
    )(x, W_l, W_r, b_l)


NBUF = 8
LA = 6
DR = NBUF - LA


def _sc_body(y_hbm, edges_hbm, z2_hbm, z1_hbm,
             acc_out, deg0_out, deg1_out,
             src_v, dst_v, rows_v, ones_v, dbuf_v, acc_sh, deg_sh,
             *sems):
    gsems = sems[:NBUF]
    ssems = sems[NBUF:2 * NBUF]
    dsems = sems[2 * NBUF:]
    cid = lax.axis_index("c")
    sid = lax.axis_index("s")
    wid = sid * NC + cid

    @pl.when(sid < DEG_T)
    def _():
        pltpu.sync_copy(z2_hbm, acc_sh.at[pl.ds(sid * DEG_R, DEG_R)])
        pltpu.sync_copy(z1_hbm, dbuf_v)
        pltpu.sync_copy(dbuf_v, deg_sh.at[pl.ds(sid * DEG_R, DEG_R)])

    pltpu.sync_copy(edges_hbm.at[0, wid], src_v)
    pltpu.sync_copy(edges_hbm.at[1, wid], dst_v)
    for j in range(8):
        ones_v[pl.ds(16 * j, 16)] = jnp.full((16,), 1.0, dtype=jnp.float32)

    plsc.subcore_barrier()

    def sidx(c):
        return src_v.at[c]

    def didx(c):
        return dst_v.at[c]

    for c0 in range(LA):
        pltpu.async_copy(y_hbm.at[sidx(c0)], rows_v.at[c0], gsems[c0])

    def group(g, carry):
        for b in range(NBUF):
            c = NBUF * g + b
            b2 = (b + LA) % NBUF

            pltpu.make_async_copy(y_hbm.at[sidx(c)], rows_v.at[b],
                                  gsems[b]).wait()
            pltpu.async_copy(rows_v.at[b], acc_sh.at[didx(c)],
                             ssems[b], add=True)
            pltpu.async_copy(ones_v.at[pl.ds(0, CHUNK)],
                             deg_sh.at[didx(c)], dsems[b], add=True)

            @pl.when(c >= DR)
            def _():
                pltpu.make_async_copy(rows_v.at[b2],
                                      acc_sh.at[didx(c - DR)],
                                      ssems[b2]).wait()
                pltpu.make_async_copy(ones_v.at[pl.ds(0, CHUNK)],
                                      deg_sh.at[didx(c - DR)],
                                      dsems[b2]).wait()

            @pl.when(c < NCHUNK - LA)
            def _():
                pltpu.async_copy(y_hbm.at[sidx(c + LA)], rows_v.at[b2],
                                 gsems[b2])
        return carry

    lax.fori_loop(0, NCHUNK // NBUF, group, 0)

    for j in range(DR):
        c = NCHUNK - DR + j
        b = c % NBUF
        pltpu.make_async_copy(rows_v.at[b], acc_sh.at[didx(c)],
                              ssems[b]).wait()
        pltpu.make_async_copy(ones_v.at[pl.ds(0, CHUNK)],
                              deg_sh.at[didx(c)], dsems[b]).wait()

    plsc.subcore_barrier()

    @pl.when(sid < DEG_T)
    def _():
        pltpu.sync_copy(acc_sh.at[pl.ds(sid * DEG_R, DEG_R)],
                        acc_out.at[pl.ds(sid * DEG_R, DEG_R),
                                   pl.ds(cid * H, H)])
        pltpu.sync_copy(deg_sh.at[pl.ds(sid * DEG_R, DEG_R)], dbuf_v)

        @pl.when(cid == 0)
        def _():
            pltpu.sync_copy(dbuf_v, deg0_out.at[pl.ds(sid * DEG_R, DEG_R)])

        @pl.when(cid == 1)
        def _():
            pltpu.sync_copy(dbuf_v, deg1_out.at[pl.ds(sid * DEG_R, DEG_R)])


def _sc_aggregate(y2, edges, z2, z1):
    mesh = plsc.VectorSubcoreMesh(core_axis_name="c", subcore_axis_name="s")
    f = pl.kernel(
        _sc_body,
        out_type=(
            jax.ShapeDtypeStruct((N, H2), jnp.float32),
            jax.ShapeDtypeStruct((N,), jnp.float32),
            jax.ShapeDtypeStruct((N,), jnp.float32),
        ),
        mesh=mesh,
        compiler_params=pltpu.CompilerParams(use_tc_tiling_on_sc=False),
        scratch_types=[
            pltpu.VMEM((NCHUNK, CHUNK), jnp.int32),
            pltpu.VMEM((NCHUNK, CHUNK), jnp.int32),
            pltpu.VMEM((NBUF, CHUNK, H), jnp.float32),
            pltpu.VMEM((128,), jnp.float32),
            pltpu.VMEM((DEG_R,), jnp.float32),
            pltpu.VMEM_SHARED((N, H), jnp.float32),
            pltpu.VMEM_SHARED((N,), jnp.float32),
        ] + [pltpu.SemaphoreType.DMA] * (3 * NBUF),
    )
    return f(y2, edges, z2, z1)


def _head_body(acc_ref, yr_ref, deg0_ref, deg1_ref, wh_ref, bh_ref, out_ref):
    a = acc_ref[:, :H] + acc_ref[:, H:]
    row = pl.program_id(0)
    dsum = deg0_ref[row] + deg1_ref[row]
    scale = 1.0 / jnp.maximum(dsum, 1.0)
    z = jnp.maximum(a * scale[:, None] + yr_ref[:, H:], 0.0)
    out_ref[...] = (
        jnp.dot(z, wh_ref[...], preferred_element_type=jnp.float32)
        + bh_ref[...][None, :]
    )


def _head(acc, yr, deg0, deg1, W_head, b_head):
    BN = 2000
    return pl.pallas_call(
        _head_body,
        grid=(N // BN,),
        in_specs=[
            pl.BlockSpec((BN, H2), lambda i: (i, 0)),
            pl.BlockSpec((BN, H2), lambda i: (i, 0)),
            pl.BlockSpec((N // BN, BN), lambda i: (0, 0)),
            pl.BlockSpec((N // BN, BN), lambda i: (0, 0)),
            pl.BlockSpec((H, O), lambda i: (0, 0)),
            pl.BlockSpec((O,), lambda i: (0,)),
        ],
        out_specs=pl.BlockSpec((BN, O), lambda i: (i, 0)),
        out_shape=jax.ShapeDtypeStruct((N, O), jnp.float32),
    )(acc, yr, deg0, deg1, W_head, b_head)


def kernel(x, edge_index, W_l, b_l, W_r, W_head, b_head):
    mult = jnp.array([[2], [1]], dtype=jnp.int32)
    edges = (edge_index * mult).reshape(2, NW, NCHUNK, CHUNK)
    yr = _project(x, W_l, W_r, b_l)
    y2 = yr.reshape(2 * N, H)
    z2 = jnp.zeros((DEG_R, H), jnp.float32)
    z1 = jnp.zeros((DEG_R,), jnp.float32)
    acc, deg0, deg1 = _sc_aggregate(y2, edges, z2, z1)
    out = _head(acc, yr, deg0.reshape(5, 2000), deg1.reshape(5, 2000),
                W_head, b_head)
    return out

# --- scband reference (transcript-rebuilt; emitter-appended) ---
"""Pipeline reference for scband-gnn-16913581212178 (READ-ONLY COPY).

The authoritative reference and input builder live on the scoring server;
editing this copy changes nothing except your own understanding.
"""

import jax, jax.numpy as jnp
import numpy as np

N, E, D, H, O = 10000, 320000, 128, 64, 2

def setup_inputs(seed: int = 0) -> dict:
    key = jax.random.key(seed)
    k1, k2, k3, k4, k5, k6, k7 = jax.random.split(key, 7)
    x = jax.random.normal(k1, (N, D), dtype=jnp.float32)
    edge_index = jax.random.randint(k2, (2, E), 0, N, dtype=jnp.int32)
    # SAGEConv params: lin_l (applied to aggregated neighbors, with bias), lin_r (applied to root, no bias)
    W_l = jax.random.normal(k3, (D, H), dtype=jnp.float32) * (1.0 / np.sqrt(D))
    b_l = jnp.zeros((H,), dtype=jnp.float32)
    W_r = jax.random.normal(k4, (D, H), dtype=jnp.float32) * (1.0 / np.sqrt(D))
    # head Linear(H, O)
    W_head = jax.random.normal(k5, (H, O), dtype=jnp.float32) * (1.0 / np.sqrt(H))
    b_head = jax.random.normal(k6, (O,), dtype=jnp.float32) * 0.01
    return {"x": x, "edge_index": edge_index, "W_l": W_l, "b_l": b_l, "W_r": W_r, "W_head": W_head, "b_head": b_head}

def reference(x, edge_index, W_l, b_l, W_r, W_head, b_head):
    # SAGEConv with mean aggregation: out = lin_l(mean_{j in N(i)} x_j) + lin_r(x_i)
    src = edge_index[0]
    dst = edge_index[1]
    msg = jnp.take(x, src, axis=0)                      # gather [E, D]
    agg_sum = jax.ops.segment_sum(msg, dst, num_segments=N)
    deg = jax.ops.segment_sum(jnp.ones((E,), dtype=x.dtype), dst, num_segments=N)
    agg = agg_sum / jnp.maximum(deg, 1.0)[:, None]      # mean aggregation; isolated nodes -> 0
    h = agg @ W_l + b_l + x @ W_r
    z = jax.nn.relu(h)
    # dropout p=0.5 is identity in eval mode
    out = z @ W_head + b_head
    return out

if __name__ == "__main__":
    import jax
    _d = setup_inputs()
    print(jax.jit(kernel)(*tuple(_d.values())))

</pallas_src>

<mosaic_0001>
#map = affine_map<(d0, d1) -> (0, 0)>
#map1 = affine_map<(d0, d1) -> (0, 0, 0, 0)>
#map2 = affine_map<(d0, d1) -> (0)>
module attributes {stable_mosaic.version = 14 : i64} {
  func.func @_sc_body(%arg0: i32, %arg1: i32, %arg2: memref<20000x64xf32, #tpu.memory_space<hbm>>, %arg3: memref<2x32x80x125xi32, #tpu.memory_space<hbm>>, %arg4: memref<1000x64xf32, #tpu.memory_space<hbm>>, %arg5: memref<1000xf32, #tpu.memory_space<hbm>>, %arg6: memref<10000x128xf32, #tpu.memory_space<hbm>>, %arg7: memref<10000xf32, #tpu.memory_space<hbm>>, %arg8: memref<10000xf32, #tpu.memory_space<hbm>>, %arg9: memref<80x125xi32, #tpu.memory_space<vmem>>, %arg10: memref<80x125xi32, #tpu.memory_space<vmem>>, %arg11: memref<8x125x64xf32, #tpu.memory_space<vmem>>, %arg12: memref<128xf32, #tpu.memory_space<vmem>>, %arg13: memref<1000xf32, #tpu.memory_space<vmem>>, %arg14: memref<10000x64xf32, #tpu.memory_space<vmem_shared>>, %arg15: memref<10000xf32, #tpu.memory_space<vmem_shared>>, %arg16: memref<!tpu.dma_semaphore, #tpu.memory_space<semaphore_mem>>, %arg17: memref<!tpu.dma_semaphore, #tpu.memory_space<semaphore_mem>>, %arg18: memref<!tpu.dma_semaphore, #tpu.memory_space<semaphore_mem>>, %arg19: memref<!tpu.dma_semaphore, #tpu.memory_space<semaphore_mem>>, %arg20: memref<!tpu.dma_semaphore, #tpu.memory_space<semaphore_mem>>, %arg21: memref<!tpu.dma_semaphore, #tpu.memory_space<semaphore_mem>>, %arg22: memref<!tpu.dma_semaphore, #tpu.memory_space<semaphore_mem>>, %arg23: memref<!tpu.dma_semaphore, #tpu.memory_space<semaphore_mem>>, %arg24: memref<!tpu.dma_semaphore, #tpu.memory_space<semaphore_mem>>, %arg25: memref<!tpu.dma_semaphore, #tpu.memory_space<semaphore_mem>>, %arg26: memref<!tpu.dma_semaphore, #tpu.memory_space<semaphore_mem>>, %arg27: memref<!tpu.dma_semaphore, #tpu.memory_space<semaphore_mem>>, %arg28: memref<!tpu.dma_semaphore, #tpu.memory_space<semaphore_mem>>, %arg29: memref<!tpu.dma_semaphore, #tpu.memory_space<semaphore_mem>>, %arg30: memref<!tpu.dma_semaphore, #tpu.memory_space<semaphore_mem>>, %arg31: memref<!tpu.dma_semaphore, #tpu.memory_space<semaphore_mem>>, %arg32: memref<!tpu.dma_semaphore, #tpu.memory_space<semaphore_mem>>, %arg33: memref<!tpu.dma_semaphore, #tpu.memory_space<semaphore_mem>>, %arg34: memref<!tpu.dma_semaphore, #tpu.memory_space<semaphore_mem>>, %arg35: memref<!tpu.dma_semaphore, #tpu.memory_space<semaphore_mem>>, %arg36: memref<!tpu.dma_semaphore, #tpu.memory_space<semaphore_mem>>, %arg37: memref<!tpu.dma_semaphore, #tpu.memory_space<semaphore_mem>>, %arg38: memref<!tpu.dma_semaphore, #tpu.memory_space<semaphore_mem>>, %arg39: memref<!tpu.dma_semaphore, #tpu.memory_space<semaphore_mem>>) attributes {dimension_semantics = [#tpu.dimension_semantics<core_parallel>, #tpu.dimension_semantics<subcore_parallel>], iteration_bounds = array<i64: 2, 16>, scalar_prefetch = 0 : i64, scratch_operands = 31 : i64, tpu.core_type = #tpu.core_type<sc_vector_subcore>, window_params = [{transform_indices = #map}, {transform_indices = #map1}, {transform_indices = #map}, {transform_indices = #map2}, {transform_indices = #map}, {transform_indices = #map2}, {transform_indices = #map2}]} {
    %mul3A = arith.constant 2 : i32
    %mul3A_0 = arith.muli %arg1, %mul3A : i32
    %add3A = arith.addi %mul3A_0, %arg0 : i32
    %lt3A = arith.constant 10 : i32
    %lt3A_1 = arith.cmpi slt, %arg1, %lt3A : i32
    %convert_element_type3A = arith.extui %lt3A_1 : i1 to i32
    %cond3A = arith.constant 0 : i32
    %cond3A_2 = arith.cmpi ne, %convert_element_type3A, %cond3A : i32
    scf.if %cond3A_2 {
      %mul3A_171 = arith.constant 1000 : i32
      %mul3A_172 = arith.muli %arg1, %mul3A_171 : i32
      "tpu.region"() ({
        %run_scoped3A_175 = tpu.sem_alloc : memref<!tpu.dma_semaphore, #tpu.memory_space<semaphore_mem>>
        %dma_start3A_176 = arith.constant 0 : i32
        %dma_start3A_177 = tpu.memref_slice %arg14[%mul3A_172, %dma_start3A_176] : memref<10000x64xf32, #tpu.memory_space<vmem_shared>> -> memref<1000x64xf32, #tpu.memory_space<vmem_shared>>
        tpu.enqueue_dma source(%arg4 : memref<1000x64xf32, #tpu.memory_space<hbm>>) target(%dma_start3A_177 : memref<1000x64xf32, #tpu.memory_space<vmem_shared>>) target_semaphore(%run_scoped3A_175 : memref<!tpu.dma_semaphore, #tpu.memory_space<semaphore_mem>>)
        %dma_wait3A_178 = arith.constant 0 : i32
        %dma_wait3A_179 = tpu.memref_slice %arg14[%mul3A_172, %dma_wait3A_178] : memref<10000x64xf32, #tpu.memory_space<vmem_shared>> -> memref<1000x64xf32, #tpu.memory_space<vmem_shared>>
        tpu.wait_dma2 semaphore(%run_scoped3A_175 : memref<!tpu.dma_semaphore, #tpu.memory_space<semaphore_mem>>) src(%arg4 : memref<1000x64xf32, #tpu.memory_space<hbm>>) dst(%dma_wait3A_179 : memref<1000x64xf32, #tpu.memory_space<vmem_shared>>)
        tpu.yield
      }) : () -> ()
      "tpu.region"() ({
        %run_scoped3A_175 = tpu.sem_alloc : memref<!tpu.dma_semaphore, #tpu.memory_space<semaphore_mem>>
        tpu.enqueue_dma source(%arg5 : memref<1000xf32, #tpu.memory_space<hbm>>) target(%arg13 : memref<1000xf32, #tpu.memory_space<vmem>>) target_semaphore(%run_scoped3A_175 : memref<!tpu.dma_semaphore, #tpu.memory_space<semaphore_mem>>)
        tpu.wait_dma2 semaphore(%run_scoped3A_175 : memref<!tpu.dma_semaphore, #tpu.memory_space<semaphore_mem>>) src(%arg5 : memref<1000xf32, #tpu.memory_space<hbm>>) dst(%arg13 : memref<1000xf32, #tpu.memory_space<vmem>>)
        tpu.yield
      }) : () -> ()
      %mul3A_173 = arith.constant 1000 : i32
      %mul3A_174 = arith.muli %arg1, %mul3A_173 : i32
      "tpu.region"() ({
        %run_scoped3A_175 = tpu.sem_alloc : memref<!tpu.dma_semaphore, #tpu.memory_space<semaphore_mem>>
        %dma_start3A_176 = tpu.memref_slice %arg15[%mul3A_174] : memref<10000xf32, #tpu.memory_space<vmem_shared>> -> memref<1000xf32, #tpu.memory_space<vmem_shared>>
        %dma_start3A_177 = tpu.memref_slice %arg15[%mul3A_174] : memref<10000xf32, #tpu.memory_space<vmem_shared>> -> memref<1000xf32, #tpu.memory_space<vmem_shared>>
        tpu.enqueue_dma source(%arg13 : memref<1000xf32, #tpu.memory_space<vmem>>) target(%dma_start3A_177 : memref<1000xf32, #tpu.memory_space<vmem_shared>>) target_semaphore(%run_scoped3A_175 : memref<!tpu.dma_semaphore, #tpu.memory_space<semaphore_mem>>)
        %dma_wait3A_178 = tpu.memref_slice %arg15[%mul3A_174] : memref<10000xf32, #tpu.memory_space<vmem_shared>> -> memref<1000xf32, #tpu.memory_space<vmem_shared>>
        %dma_wait3A_179 = tpu.memref_slice %arg15[%mul3A_174] : memref<10000xf32, #tpu.memory_space<vmem_shared>> -> memref<1000xf32, #tpu.memory_space<vmem_shared>>
        tpu.wait_dma2 semaphore(%run_scoped3A_175 : memref<!tpu.dma_semaphore, #tpu.memory_space<semaphore_mem>>) src(%arg13 : memref<1000xf32, #tpu.memory_space<vmem>>) dst(%dma_wait3A_179 : memref<1000xf32, #tpu.memory_space<vmem_shared>>)
        tpu.yield
      }) : () -> ()
    } else {
    }
    %run_scoped3A = arith.constant 0 : i32
    "tpu.region"() ({
      %run_scoped3A_171 = tpu.sem_alloc : memref<!tpu.dma_semaphore, #tpu.memory_space<semaphore_mem>>
      %dma_start3A_172 = arith.constant 0 : i32
      %dma_start3A_173 = arith.constant 0 : i32
      %dma_start3A_174 = tpu.memref_slice %arg3[%run_scoped3A, %add3A, %dma_start3A_172, %dma_start3A_173] : memref<2x32x80x125xi32, #tpu.memory_space<hbm>> -> memref<1x1x80x125xi32, #tpu.memory_space<hbm>>
      %dma_start3A_175 = tpu.memref_squeeze %dma_start3A_174 : memref<1x1x80x125xi32, #tpu.memory_space<hbm>> -> memref<80x125xi32, #tpu.memory_space<hbm>>
      %dma_start3A_176 = arith.constant 0 : i32
      %dma_start3A_177 = arith.constant 0 : i32
      %dma_start3A_178 = tpu.memref_slice %arg3[%run_scoped3A, %add3A, %dma_start3A_176, %dma_start3A_177] : memref<2x32x80x125xi32, #tpu.memory_space<hbm>> -> memref<1x1x80x125xi32, #tpu.memory_space<hbm>>
      %dma_start3A_179 = tpu.memref_squeeze %dma_start3A_178 : memref<1x1x80x125xi32, #tpu.memory_space<hbm>> -> memref<80x125xi32, #tpu.memory_space<hbm>>
      tpu.enqueue_dma source(%dma_start3A_179 : memref<80x125xi32, #tpu.memory_space<hbm>>) target(%arg9 : memref<80x125xi32, #tpu.memory_space<vmem>>) target_semaphore(%run_scoped3A_171 : memref<!tpu.dma_semaphore, #tpu.memory_space<semaphore_mem>>)
      %dma_wait3A_180 = arith.constant 0 : i32
      %dma_wait3A_181 = arith.constant 0 : i32
      %dma_wait3A_182 = tpu.memref_slice %arg3[%run_scoped3A, %add3A, %dma_wait3A_180, %dma_wait3A_181] : memref<2x32x80x125xi32, #tpu.memory_space<hbm>> -> memref<1x1x80x125xi32, #tpu.memory_space<hbm>>
      %dma_wait3A_183 = tpu.memref_squeeze %dma_wait3A_182 : memref<1x1x80x125xi32, #tpu.memory_space<hbm>> -> memref<80x125xi32, #tpu.memory_space<hbm>>
      %dma_wait3A_184 = arith.constant 0 : i32
      %dma_wait3A_185 = arith.constant 0 : i32
      %dma_wait3A_186 = tpu.memref_slice %arg3[%run_scoped3A, %add3A, %dma_wait3A_184, %dma_wait3A_185] : memref<2x32x80x125xi32, #tpu.memory_space<hbm>> -> memref<1x1x80x125xi32, #tpu.memory_space<hbm>>
      %dma_wait3A_187 = tpu.memref_squeeze %dma_wait3A_186 : memref<1x1x80x125xi32, #tpu.memory_space<hbm>> -> memref<80x125xi32, #tpu.memory_space<hbm>>
      tpu.wait_dma2 semaphore(%run_scoped3A_171 : memref<!tpu.dma_semaphore, #tpu.memory_space<semaphore_mem>>) src(%dma_wait3A_187 : memref<80x125xi32, #tpu.memory_space<hbm>>) dst(%arg9 : memref<80x125xi32, #tpu.memory_space<vmem>>)
      tpu.yield
    }) : () -> ()
    %run_scoped3A_3 = arith.constant 1 : i32
    "tpu.region"() ({
      %run_scoped3A_171 = tpu.sem_alloc : memref<!tpu.dma_semaphore, #tpu.memory_space<semaphore_mem>>
      %dma_start3A_172 = arith.constant 0 : i32
      %dma_start3A_173 = arith.constant 0 : i32
      %dma_start3A_174 = tpu.memref_slice %arg3[%run_scoped3A_3, %add3A, %dma_start3A_172, %dma_start3A_173] : memref<2x32x80x125xi32, #tpu.memory_space<hbm>> -> memref<1x1x80x125xi32, #tpu.memory_space<hbm>>
      %dma_start3A_175 = tpu.memref_squeeze %dma_start3A_174 : memref<1x1x80x125xi32, #tpu.memory_space<hbm>> -> memref<80x125xi32, #tpu.memory_space<hbm>>
      %dma_start3A_176 = arith.constant 0 : i32
      %dma_start3A_177 = arith.constant 0 : i32
      %dma_start3A_178 = tpu.memref_slice %arg3[%run_scoped3A_3, %add3A, %dma_start3A_176, %dma_start3A_177] : memref<2x32x80x125xi32, #tpu.memory_space<hbm>> -> memref<1x1x80x125xi32, #tpu.memory_space<hbm>>
      %dma_start3A_179 = tpu.memref_squeeze %dma_start3A_178 : memref<1x1x80x125xi32, #tpu.memory_space<hbm>> -> memref<80x125xi32, #tpu.memory_space<hbm>>
      tpu.enqueue_dma source(%dma_start3A_179 : memref<80x125xi32, #tpu.memory_space<hbm>>) target(%arg10 : memref<80x125xi32, #tpu.memory_space<vmem>>) target_semaphore(%run_scoped3A_171 : memref<!tpu.dma_semaphore, #tpu.memory_space<semaphore_mem>>)
      %dma_wait3A_180 = arith.constant 0 : i32
      %dma_wait3A_181 = arith.constant 0 : i32
      %dma_wait3A_182 = tpu.memref_slice %arg3[%run_scoped3A_3, %add3A, %dma_wait3A_180, %dma_wait3A_181] : memref<2x32x80x125xi32, #tpu.memory_space<hbm>> -> memref<1x1x80x125xi32, #tpu.memory_space<hbm>>
      %dma_wait3A_183 = tpu.memref_squeeze %dma_wait3A_182 : memref<1x1x80x125xi32, #tpu.memory_space<hbm>> -> memref<80x125xi32, #tpu.memory_space<hbm>>
      %dma_wait3A_184 = arith.constant 0 : i32
      %dma_wait3A_185 = arith.constant 0 : i32
      %dma_wait3A_186 = tpu.memref_slice %arg3[%run_scoped3A_3, %add3A, %dma_wait3A_184, %dma_wait3A_185] : memref<2x32x80x125xi32, #tpu.memory_space<hbm>> -> memref<1x1x80x125xi32, #tpu.memory_space<hbm>>
      %dma_wait3A_187 = tpu.memref_squeeze %dma_wait3A_186 : memref<1x1x80x125xi32, #tpu.memory_space<hbm>> -> memref<80x125xi32, #tpu.memory_space<hbm>>
      tpu.wait_dma2 semaphore(%run_scoped3A_171 : memref<!tpu.dma_semaphore, #tpu.memory_space<semaphore_mem>>) src(%dma_wait3A_187 : memref<80x125xi32, #tpu.memory_space<hbm>>) dst(%arg10 : memref<80x125xi32, #tpu.memory_space<vmem>>)
      tpu.yield
    }) : () -> ()
    %broadcast_in_dim3A = arith.constant 1.000000e+00 : f32
    %broadcast_in_dim3A_4 = vector.broadcast %broadcast_in_dim3A : f32 to vector<16xf32>
    %swap3A = arith.constant 0 : index
    %swap3A_5 = tpu.vector_load %arg12[%swap3A] {strides = array<i32>} : memref<128xf32, #tpu.memory_space<vmem>>, vector<16xf32>,
    %swap3A_6 = vector.shape_cast %swap3A_5 : vector<16xf32> to vector<16xf32>
    %swap3A_7 = vector.shape_cast %broadcast_in_dim3A_4 : vector<16xf32> to vector<16xf32>
    tpu.vector_store %arg12[%swap3A], %swap3A_7 {strides = array<i32>} : memref<128xf32, #tpu.memory_space<vmem>>, vector<16xf32>,
    %broadcast_in_dim3A_8 = arith.constant 1.000000e+00 : f32
    %broadcast_in_dim3A_9 = vector.broadcast %broadcast_in_dim3A_8 : f32 to vector<16xf32>
    %swap3A_10 = arith.constant 16 : index
    %swap3A_11 = tpu.vector_load %arg12[%swap3A_10] {strides = array<i32>} : memref<128xf32, #tpu.memory_space<vmem>>, vector<16xf32>,
    %swap3A_12 = vector.shape_cast %swap3A_11 : vector<16xf32> to vector<16xf32>
    %swap3A_13 = vector.shape_cast %broadcast_in_dim3A_9 : vector<16xf32> to vector<16xf32>
    tpu.vector_store %arg12[%swap3A_10], %swap3A_13 {strides = array<i32>} : memref<128xf32, #tpu.memory_space<vmem>>, vector<16xf32>,
    %broadcast_in_dim3A_14 = arith.constant 1.000000e+00 : f32
    %broadcast_in_dim3A_15 = vector.broadcast %broadcast_in_dim3A_14 : f32 to vector<16xf32>
    %swap3A_16 = arith.constant 32 : index
    %swap3A_17 = tpu.vector_load %arg12[%swap3A_16] {strides = array<i32>} : memref<128xf32, #tpu.memory_space<vmem>>, vector<16xf32>,
    %swap3A_18 = vector.shape_cast %swap3A_17 : vector<16xf32> to vector<16xf32>
    %swap3A_19 = vector.shape_cast %broadcast_in_dim3A_15 : vector<16xf32> to vector<16xf32>
    tpu.vector_store %arg12[%swap3A_16], %swap3A_19 {strides = array<i32>} : memref<128xf32, #tpu.memory_space<vmem>>, vector<16xf32>,
    %broadcast_in_dim3A_20 = arith.constant 1.000000e+00 : f32
    %broadcast_in_dim3A_21 = vector.broadcast %broadcast_in_dim3A_20 : f32 to vector<16xf32>
    %swap3A_22 = arith.constant 48 : index
    %swap3A_23 = tpu.vector_load %arg12[%swap3A_22] {strides = array<i32>} : memref<128xf32, #tpu.memory_space<vmem>>, vector<16xf32>,
    %swap3A_24 = vector.shape_cast %swap3A_23 : vector<16xf32> to vector<16xf32>
    %swap3A_25 = vector.shape_cast %broadcast_in_dim3A_21 : vector<16xf32> to vector<16xf32>
    tpu.vector_store %arg12[%swap3A_22], %swap3A_25 {strides = array<i32>} : memref<128xf32, #tpu.memory_space<vmem>>, vector<16xf32>,
    %broadcast_in_dim3A_26 = arith.constant 1.000000e+00 : f32
    %broadcast_in_dim3A_27 = vector.broadcast %broadcast_in_dim3A_26 : f32 to vector<16xf32>
    %swap3A_28 = arith.constant 64 : index
    %swap3A_29 = tpu.vector_load %arg12[%swap3A_28] {strides = array<i32>} : memref<128xf32, #tpu.memory_space<vmem>>, vector<16xf32>,
    %swap3A_30 = vector.shape_cast %swap3A_29 : vector<16xf32> to vector<16xf32>
    %swap3A_31 = vector.shape_cast %broadcast_in_dim3A_27 : vector<16xf32> to vector<16xf32>
    tpu.vector_store %arg12[%swap3A_28], %swap3A_31 {strides = array<i32>} : memref<128xf32, #tpu.memory_space<vmem>>, vector<16xf32>,
    %broadcast_in_dim3A_32 = arith.constant 1.000000e+00 : f32
    %broadcast_in_dim3A_33 = vector.broadcast %broadcast_in_dim3A_32 : f32 to vector<16xf32>
    %swap3A_34 = arith.constant 80 : index
    %swap3A_35 = tpu.vector_load %arg12[%swap3A_34] {strides = array<i32>} : memref<128xf32, #tpu.memory_space<vmem>>, vector<16xf32>,
    %swap3A_36 = vector.shape_cast %swap3A_35 : vector<16xf32> to vector<16xf32>
    %swap3A_37 = vector.shape_cast %broadcast_in_dim3A_33 : vector<16xf32> to vector<16xf32>
    tpu.vector_store %arg12[%swap3A_34], %swap3A_37 {strides = array<i32>} : memref<128xf32, #tpu.memory_space<vmem>>, vector<16xf32>,
    %broadcast_in_dim3A_38 = arith.constant 1.000000e+00 : f32
    %broadcast_in_dim3A_39 = vector.broadcast %broadcast_in_dim3A_38 : f32 to vector<16xf32>
    %swap3A_40 = arith.constant 96 : index
    %swap3A_41 = tpu.vector_load %arg12[%swap3A_40] {strides = array<i32>} : memref<128xf32, #tpu.memory_space<vmem>>, vector<16xf32>,
    %swap3A_42 = vector.shape_cast %swap3A_41 : vector<16xf32> to vector<16xf32>
    %swap3A_43 = vector.shape_cast %broadcast_in_dim3A_39 : vector<16xf32> to vector<16xf32>
    tpu.vector_store %arg12[%swap3A_40], %swap3A_43 {strides = array<i32>} : memref<128xf32, #tpu.memory_space<vmem>>, vector<16xf32>,
    %broadcast_in_dim3A_44 = arith.constant 1.000000e+00 : f32
    %broadcast_in_dim3A_45 = vector.broadcast %broadcast_in_dim3A_44 : f32 to vector<16xf32>
    %swap3A_46 = arith.constant 112 : index
    %swap3A_47 = tpu.vector_load %arg12[%swap3A_46] {strides = array<i32>} : memref<128xf32, #tpu.memory_space<vmem>>, vector<16xf32>,
    %swap3A_48 = vector.shape_cast %swap3A_47 : vector<16xf32> to vector<16xf32>
    %swap3A_49 = vector.shape_cast %broadcast_in_dim3A_45 : vector<16xf32> to vector<16xf32>
    tpu.vector_store %arg12[%swap3A_46], %swap3A_49 {strides = array<i32>} : memref<128xf32, #tpu.memory_space<vmem>>, vector<16xf32>,
    %barrier3A = arith.constant 0 : index
    tpu.barrier barrier_id(%barrier3A)
    %dma_start3A = arith.constant 0 : i32
    %dma_start3A_50 = arith.constant 0 : i32
    %dma_start3A_51 = arith.constant 0 : i32
    %dma_start3A_52 = arith.constant 0 : i32
    %dma_start3A_53 = tpu.memref_slice %arg11[%dma_start3A_50, %dma_start3A_51, %dma_start3A_52] : memref<8x125x64xf32, #tpu.memory_space<vmem>> -> memref<1x125x64xf32, #tpu.memory_space<vmem>>
    %dma_start3A_54 = tpu.memref_squeeze %dma_start3A_53 : memref<1x125x64xf32, #tpu.memory_space<vmem>> -> memref<125x64xf32, #tpu.memory_space<vmem>>
    %dma_start3A_55 = arith.constant 0 : i32
    %dma_start3A_56 = tpu.memref_slice %arg9[%dma_start3A, %dma_start3A_55] : memref<80x125xi32, #tpu.memory_space<vmem>> -> memref<1x125xi32, #tpu.memory_space<vmem>>
    %dma_start3A_57 = tpu.memref_squeeze %dma_start3A_56 : memref<1x125xi32, #tpu.memory_space<vmem>> -> memref<125xi32, #tpu.memory_space<vmem>>
    %dma_start3A_58 = arith.constant 0 : i32
    %dma_start3A_59 = arith.constant 0 : i32
    %dma_start3A_60 = tpu.memref_slice %arg2[%dma_start3A_58, %dma_start3A_59] : memref<20000x64xf32, #tpu.memory_space<hbm>> -> memref<20000x64xf32, #tpu.memory_space<hbm>>
    tpu.enqueue_indirect_dma source(%dma_start3A_60 : memref<20000x64xf32, #tpu.memory_space<hbm>>) target(%dma_start3A_54 : memref<125x64xf32, #tpu.memory_space<vmem>>) offsets(%dma_start3A_57 : memref<125xi32, #tpu.memory_space<vmem>>) semaphore(%arg16 : memref<!tpu.dma_semaphore, #tpu.memory_space<semaphore_mem>>)
    %dma_start3A_61 = arith.constant 1 : i32
    %dma_start3A_62 = arith.constant 1 : i32
    %dma_start3A_63 = arith.constant 0 : i32
    %dma_start3A_64 = arith.constant 0 : i32
    %dma_start3A_65 = tpu.memref_slice %arg11[%dma_start3A_62, %dma_start3A_63, %dma_start3A_64] : memref<8x125x64xf32, #tpu.memory_space<vmem>> -> memref<1x125x64xf32, #tpu.memory_space<vmem>>
    %dma_start3A_66 = tpu.memref_squeeze %dma_start3A_65 : memref<1x125x64xf32, #tpu.memory_space<vmem>> -> memref<125x64xf32, #tpu.memory_space<vmem>>
    %dma_start3A_67 = arith.constant 0 : i32
    %dma_start3A_68 = tpu.memref_slice %arg9[%dma_start3A_61, %dma_start3A_67] : memref<80x125xi32, #tpu.memory_space<vmem>> -> memref<1x125xi32, #tpu.memory_space<vmem>>
    %dma_start3A_69 = tpu.memref_squeeze %dma_start3A_68 : memref<1x125xi32, #tpu.memory_space<vmem>> -> memref<125xi32, #tpu.memory_space<vmem>>
    %dma_start3A_70 = arith.constant 0 : i32
    %dma_start3A_71 = arith.constant 0 : i32
    %dma_start3A_72 = tpu.memref_slice %arg2[%dma_start3A_70, %dma_start3A_71] : memref<20000x64xf32, #tpu.memory_space<hbm>> -> memref<20000x64xf32, #tpu.memory_space<hbm>>
    tpu.enqueue_indirect_dma source(%dma_start3A_72 : memref<20000x64xf32, #tpu.memory_space<hbm>>) target(%dma_start3A_66 : memref<125x64xf32, #tpu.memory_space<vmem>>) offsets(%dma_start3A_69 : memref<125xi32, #tpu.memory_space<vmem>>) semaphore(%arg17 : memref<!tpu.dma_semaphore, #tpu.memory_space<semaphore_mem>>)
    %dma_start3A_73 = arith.constant 2 : i32
    %dma_start3A_74 = arith.constant 2 : i32
    %dma_start3A_75 = arith.constant 0 : i32
    %dma_start3A_76 = arith.constant 0 : i32
    %dma_start3A_77 = tpu.memref_slice %arg11[%dma_start3A_74, %dma_start3A_75, %dma_start3A_76] : memref<8x125x64xf32, #tpu.memory_space<vmem>> -> memref<1x125x64xf32, #tpu.memory_space<vmem>>
    %dma_start3A_78 = tpu.memref_squeeze %dma_start3A_77 : memref<1x125x64xf32, #tpu.memory_space<vmem>> -> memref<125x64xf32, #tpu.memory_space<vmem>>
    %dma_start3A_79 = arith.constant 0 : i32
    %dma_start3A_80 = tpu.memref_slice %arg9[%dma_start3A_73, %dma_start3A_79] : memref<80x125xi32, #tpu.memory_space<vmem>> -> memref<1x125xi32, #tpu.memory_space<vmem>>
    %dma_start3A_81 = tpu.memref_squeeze %dma_start3A_80 : memref<1x125xi32, #tpu.memory_space<vmem>> -> memref<125xi32, #tpu.memory_space<vmem>>
    %dma_start3A_82 = arith.constant 0 : i32
    %dma_start3A_83 = arith.constant 0 : i32
    %dma_start3A_84 = tpu.memref_slice %arg2[%dma_start3A_82, %dma_start3A_83] : memref<20000x64xf32, #tpu.memory_space<hbm>> -> memref<20000x64xf32, #tpu.memory_space<hbm>>
    tpu.enqueue_indirect_dma source(%dma_start3A_84 : memref<20000x64xf32, #tpu.memory_space<hbm>>) target(%dma_start3A_78 : memref<125x64xf32, #tpu.memory_space<vmem>>) offsets(%dma_start3A_81 : memref<125xi32, #tpu.memory_space<vmem>>) semaphore(%arg18 : memref<!tpu.dma_semaphore, #tpu.memory_space<semaphore_mem>>)
    %dma_start3A_85 = arith.constant 3 : i32
    %dma_start3A_86 = arith.constant 3 : i32
    %dma_start3A_87 = arith.constant 0 : i32
    %dma_start3A_88 = arith.constant 0 : i32
    %dma_start3A_89 = tpu.memref_slice %arg11[%dma_start3A_86, %dma_start3A_87, %dma_start3A_88] : memref<8x125x64xf32, #tpu.memory_space<vmem>> -> memref<1x125x64xf32, #tpu.memory_space<vmem>>
    %dma_start3A_90 = tpu.memref_squeeze %dma_start3A_89 : memref<1x125x64xf32, #tpu.memory_space<vmem>> -> memref<125x64xf32, #tpu.memory_space<vmem>>
    %dma_start3A_91 = arith.constant 0 : i32
    %dma_start3A_92 = tpu.memref_slice %arg9[%dma_start3A_85, %dma_start3A_91] : memref<80x125xi32, #tpu.memory_space<vmem>> -> memref<1x125xi32, #tpu.memory_space<vmem>>
    %dma_start3A_93 = tpu.memref_squeeze %dma_start3A_92 : memref<1x125xi32, #tpu.memory_space<vmem>> -> memref<125xi32, #tpu.memory_space<vmem>>
    %dma_start3A_94 = arith.constant 0 : i32
    %dma_start3A_95 = arith.constant 0 : i32
    %dma_start3A_96 = tpu.memref_slice %arg2[%dma_start3A_94, %dma_start3A_95] : memref<20000x64xf32, #tpu.memory_space<hbm>> -> memref<20000x64xf32, #tpu.memory_space<hbm>>
    tpu.enqueue_indirect_dma source(%dma_start3A_96 : memref<20000x64xf32, #tpu.memory_space<hbm>>) target(%dma_start3A_90 : memref<125x64xf32, #tpu.memory_space<vmem>>) offsets(%dma_start3A_93 : memref<125xi32, #tpu.memory_space<vmem>>) semaphore(%arg19 : memref<!tpu.dma_semaphore, #tpu.memory_space<semaphore_mem>>)
    %dma_start3A_97 = arith.constant 4 : i32
    %dma_start3A_98 = arith.constant 4 : i32
    %dma_start3A_99 = arith.constant 0 : i32
    %dma_start3A_100 = arith.constant 0 : i32
    %dma_start3A_101 = tpu.memref_slice %arg11[%dma_start3A_98, %dma_start3A_99, %dma_start3A_100] : memref<8x125x64xf32, #tpu.memory_space<vmem>> -> memref<1x125x64xf32, #tpu.memory_space<vmem>>
    %dma_start3A_102 = tpu.memref_squeeze %dma_start3A_101 : memref<1x125x64xf32, #tpu.memory_space<vmem>> -> memref<125x64xf32, #tpu.memory_space<vmem>>
    %dma_start3A_103 = arith.constant 0 : i32
    %dma_start3A_104 = tpu.memref_slice %arg9[%dma_start3A_97, %dma_start3A_103] : memref<80x125xi32, #tpu.memory_space<vmem>> -> memref<1x125xi32, #tpu.memory_space<vmem>>
    %dma_start3A_105 = tpu.memref_squeeze %dma_start3A_104 : memref<1x125xi32, #tpu.memory_space<vmem>> -> memref<125xi32, #tpu.memory_space<vmem>>
    %dma_start3A_106 = arith.constant 0 : i32
    %dma_start3A_107 = arith.constant 0 : i32
    %dma_start3A_108 = tpu.memref_slice %arg2[%dma_start3A_106, %dma_start3A_107] : memref<20000x64xf32, #tpu.memory_space<hbm>> -> memref<20000x64xf32, #tpu.memory_space<hbm>>
    tpu.enqueue_indirect_dma source(%dma_start3A_108 : memref<20000x64xf32, #tpu.memory_space<hbm>>) target(%dma_start3A_102 : memref<125x64xf32, #tpu.memory_space<vmem>>) offsets(%dma_start3A_105 : memref<125xi32, #tpu.memory_space<vmem>>) semaphore(%arg20 : memref<!tpu.dma_semaphore, #tpu.memory_space<semaphore_mem>>)
    %dma_start3A_109 = arith.constant 5 : i32
    %dma_start3A_110 = arith.constant 5 : i32
    %dma_start3A_111 = arith.constant 0 : i32
    %dma_start3A_112 = arith.constant 0 : i32
    %dma_start3A_113 = tpu.memref_slice %arg11[%dma_start3A_110, %dma_start3A_111, %dma_start3A_112] : memref<8x125x64xf32, #tpu.memory_space<vmem>> -> memref<1x125x64xf32, #tpu.memory_space<vmem>>
    %dma_start3A_114 = tpu.memref_squeeze %dma_start3A_113 : memref<1x125x64xf32, #tpu.memory_space<vmem>> -> memref<125x64xf32, #tpu.memory_space<vmem>>
    %dma_start3A_115 = arith.constant 0 : i32
    %dma_start3A_116 = tpu.memref_slice %arg9[%dma_start3A_109, %dma_start3A_115] : memref<80x125xi32, #tpu.memory_space<vmem>> -> memref<1x125xi32, #tpu.memory_space<vmem>>
    %dma_start3A_117 = tpu.memref_squeeze %dma_start3A_116 : memref<1x125xi32, #tpu.memory_space<vmem>> -> memref<125xi32, #tpu.memory_space<vmem>>
    %dma_start3A_118 = arith.constant 0 : i32
    %dma_start3A_119 = arith.constant 0 : i32
    %dma_start3A_120 = tpu.memref_slice %arg2[%dma_start3A_118, %dma_start3A_119] : memref<20000x64xf32, #tpu.memory_space<hbm>> -> memref<20000x64xf32, #tpu.memory_space<hbm>>
    tpu.enqueue_indirect_dma source(%dma_start3A_120 : memref<20000x64xf32, #tpu.memory_space<hbm>>) target(%dma_start3A_114 : memref<125x64xf32, #tpu.memory_space<vmem>>) offsets(%dma_start3A_117 : memref<125xi32, #tpu.memory_space<vmem>>) semaphore(%arg21 : memref<!tpu.dma_semaphore, #tpu.memory_space<semaphore_mem>>)
    %scan3A = arith.constant 0 : i32
    %scan3A_121 = arith.constant 0 : i32
    %scan3A_122 = arith.constant 10 : i32
    %scan3A_123 = arith.addi %scan3A_121, %scan3A_122 : i32
    %scan3A_124 = arith.constant 1 : i32
    scf.for %scan3A_171 = %scan3A_121 to %scan3A_123 step %scan3A_124  : i32 {
      %mul3A_172 = arith.constant 8 : i32
      %mul3A_173 = arith.muli %mul3A_172, %scan3A_171 : i32
      %add3A_174 = arith.constant 0 : i32
      %add3A_175 = arith.addi %mul3A_173, %add3A_174 : i32
      %dma_wait3A_176 = arith.constant 0 : i32
      %dma_wait3A_177 = arith.constant 0 : i32
      %dma_wait3A_178 = arith.constant 0 : i32
      %dma_wait3A_179 = tpu.memref_slice %arg11[%dma_wait3A_176, %dma_wait3A_177, %dma_wait3A_178] : memref<8x125x64xf32, #tpu.memory_space<vmem>> -> memref<1x125x64xf32, #tpu.memory_space<vmem>>
      %dma_wait3A_180 = tpu.memref_squeeze %dma_wait3A_179 : memref<1x125x64xf32, #tpu.memory_space<vmem>> -> memref<125x64xf32, #tpu.memory_space<vmem>>
      %dma_wait3A_181 = arith.constant 0 : i32
      %dma_wait3A_182 = tpu.memref_slice %arg9[%add3A_175, %dma_wait3A_181] : memref<80x125xi32, #tpu.memory_space<vmem>> -> memref<1x125xi32, #tpu.memory_space<vmem>>
      %dma_wait3A_183 = tpu.memref_squeeze %dma_wait3A_182 : memref<1x125xi32, #tpu.memory_space<vmem>> -> memref<125xi32, #tpu.memory_space<vmem>>
      %dma_wait3A_184 = arith.constant 0 : i32
      %dma_wait3A_185 = arith.constant 0 : i32
      %dma_wait3A_186 = tpu.memref_slice %arg2[%dma_wait3A_184, %dma_wait3A_185] : memref<20000x64xf32, #tpu.memory_space<hbm>> -> memref<20000x64xf32, #tpu.memory_space<hbm>>
      tpu.wait_indirect_dma semaphore(%arg16 : memref<!tpu.dma_semaphore, #tpu.memory_space<semaphore_mem>>) src(%dma_wait3A_186 : memref<20000x64xf32, #tpu.memory_space<hbm>>) dst(%dma_wait3A_180 : memref<125x64xf32, #tpu.memory_space<vmem>>)
      %dma_start3A_187 = arith.constant 0 : i32
      %dma_start3A_188 = arith.constant 0 : i32
      %dma_start3A_189 = arith.constant 0 : i32
      %dma_start3A_190 = tpu.memref_slice %arg11[%dma_start3A_187, %dma_start3A_188, %dma_start3A_189] : memref<8x125x64xf32, #tpu.memory_space<vmem>> -> memref<1x125x64xf32, #tpu.memory_space<vmem>>
      %dma_start3A_191 = tpu.memref_squeeze %dma_start3A_190 : memref<1x125x64xf32, #tpu.memory_space<vmem>> -> memref<125x64xf32, #tpu.memory_space<vmem>>
      %dma_start3A_192 = arith.constant 0 : i32
      %dma_start3A_193 = tpu.memref_slice %arg10[%add3A_175, %dma_start3A_192] : memref<80x125xi32, #tpu.memory_space<vmem>> -> memref<1x125xi32, #tpu.memory_space<vmem>>
      %dma_start3A_194 = tpu.memref_squeeze %dma_start3A_193 : memref<1x125xi32, #tpu.memory_space<vmem>> -> memref<125xi32, #tpu.memory_space<vmem>>
      %dma_start3A_195 = arith.constant 0 : i32
      %dma_start3A_196 = arith.constant 0 : i32
      %dma_start3A_197 = tpu.memref_slice %arg14[%dma_start3A_195, %dma_start3A_196] : memref<10000x64xf32, #tpu.memory_space<vmem_shared>> -> memref<10000x64xf32, #tpu.memory_space<vmem_shared>>
      tpu.enqueue_indirect_dma source(%dma_start3A_191 : memref<125x64xf32, #tpu.memory_space<vmem>>) target(%dma_start3A_197 : memref<10000x64xf32, #tpu.memory_space<vmem_shared>>) offsets(%dma_start3A_194 : memref<125xi32, #tpu.memory_space<vmem>>) semaphore(%arg24 : memref<!tpu.dma_semaphore, #tpu.memory_space<semaphore_mem>>) {add = true}
      %dma_start3A_198 = arith.constant 0 : i32
      %dma_start3A_199 = tpu.memref_slice %arg12[%dma_start3A_198] : memref<128xf32, #tpu.memory_space<vmem>> -> memref<125xf32, #tpu.memory_space<vmem>>
      %dma_start3A_200 = arith.constant 0 : i32
      %dma_start3A_201 = tpu.memref_slice %arg10[%add3A_175, %dma_start3A_200] : memref<80x125xi32, #tpu.memory_space<vmem>> -> memref<1x125xi32, #tpu.memory_space<vmem>>
      %dma_start3A_202 = tpu.memref_squeeze %dma_start3A_201 : memref<1x125xi32, #tpu.memory_space<vmem>> -> memref<125xi32, #tpu.memory_space<vmem>>
      %dma_start3A_203 = arith.constant 0 : i32
      %dma_start3A_204 = tpu.memref_slice %arg15[%dma_start3A_203] : memref<10000xf32, #tpu.memory_space<vmem_shared>> -> memref<10000xf32, #tpu.memory_space<vmem_shared>>
      tpu.enqueue_indirect_dma source(%dma_start3A_199 : memref<125xf32, #tpu.memory_space<vmem>>) target(%dma_start3A_204 : memref<10000xf32, #tpu.memory_space<vmem_shared>>) offsets(%dma_start3A_202 : memref<125xi32, #tpu.memory_space<vmem>>) semaphore(%arg32 : memref<!tpu.dma_semaphore, #tpu.memory_space<semaphore_mem>>) {add = true}
      %ge3A = arith.constant 2 : i32
      %ge3A_205 = arith.cmpi sge, %add3A_175, %ge3A : i32
      %convert_element_type3A_206 = arith.extui %ge3A_205 : i1 to i32
      %cond3A_207 = arith.constant 0 : i32
      %cond3A_208 = arith.cmpi ne, %convert_element_type3A_206, %cond3A_207 : i32
      scf.if %cond3A_208 {
        %sub3A = arith.constant 2 : i32
        %sub3A_515 = arith.subi %add3A_175, %sub3A : i32
        %dma_wait3A_516 = arith.constant 6 : i32
        %dma_wait3A_517 = arith.constant 0 : i32
        %dma_wait3A_518 = arith.constant 0 : i32
        %dma_wait3A_519 = tpu.memref_slice %arg11[%dma_wait3A_516, %dma_wait3A_517, %dma_wait3A_518] : memref<8x125x64xf32, #tpu.memory_space<vmem>> -> memref<1x125x64xf32, #tpu.memory_space<vmem>>
        %dma_wait3A_520 = tpu.memref_squeeze %dma_wait3A_519 : memref<1x125x64xf32, #tpu.memory_space<vmem>> -> memref<125x64xf32, #tpu.memory_space<vmem>>
        %dma_wait3A_521 = arith.constant 0 : i32
        %dma_wait3A_522 = tpu.memref_slice %arg10[%sub3A_515, %dma_wait3A_521] : memref<80x125xi32, #tpu.memory_space<vmem>> -> memref<1x125xi32, #tpu.memory_space<vmem>>
        %dma_wait3A_523 = tpu.memref_squeeze %dma_wait3A_522 : memref<1x125xi32, #tpu.memory_space<vmem>> -> memref<125xi32, #tpu.memory_space<vmem>>
        %dma_wait3A_524 = arith.constant 0 : i32
        %dma_wait3A_525 = arith.constant 0 : i32
        %dma_wait3A_526 = tpu.memref_slice %arg14[%dma_wait3A_524, %dma_wait3A_525] : memref<10000x64xf32, #tpu.memory_space<vmem_shared>> -> memref<10000x64xf32, #tpu.memory_space<vmem_shared>>
        tpu.wait_indirect_dma semaphore(%arg30 : memref<!tpu.dma_semaphore, #tpu.memory_space<semaphore_mem>>) src(%dma_wait3A_520 : memref<125x64xf32, #tpu.memory_space<vmem>>) dst(%dma_wait3A_526 : memref<10000x64xf32, #tpu.memory_space<vmem_shared>>)
        %sub3A_527 = arith.constant 2 : i32
        %sub3A_528 = arith.subi %add3A_175, %sub3A_527 : i32
        %dma_wait3A_529 = arith.constant 0 : i32
        %dma_wait3A_530 = tpu.memref_slice %arg12[%dma_wait3A_529] : memref<128xf32, #tpu.memory_space<vmem>> -> memref<125xf32, #tpu.memory_space<vmem>>
        %dma_wait3A_531 = arith.constant 0 : i32
        %dma_wait3A_532 = tpu.memref_slice %arg10[%sub3A_528, %dma_wait3A_531] : memref<80x125xi32, #tpu.memory_space<vmem>> -> memref<1x125xi32, #tpu.memory_space<vmem>>
        %dma_wait3A_533 = tpu.memref_squeeze %dma_wait3A_532 : memref<1x125xi32, #tpu.memory_space<vmem>> -> memref<125xi32, #tpu.memory_space<vmem>>
        %dma_wait3A_534 = arith.constant 0 : i32
        %dma_wait3A_535 = tpu.memref_slice %arg15[%dma_wait3A_534] : memref<10000xf32, #tpu.memory_space<vmem_shared>> -> memref<10000xf32, #tpu.memory_space<vmem_shared>>
        tpu.wait_indirect_dma semaphore(%arg38 : memref<!tpu.dma_semaphore, #tpu.memory_space<semaphore_mem>>) src(%dma_wait3A_530 : memref<125xf32, #tpu.memory_space<vmem>>) dst(%dma_wait3A_535 : memref<10000xf32, #tpu.memory_space<vmem_shared>>)
      } else {
      }
      %lt3A_209 = arith.constant 74 : i32
      %lt3A_210 = arith.cmpi slt, %add3A_175, %lt3A_209 : i32
      %convert_element_type3A_211 = arith.extui %lt3A_210 : i1 to i32
      %cond3A_212 = arith.constant 0 : i32
      %cond3A_213 = arith.cmpi ne, %convert_element_type3A_211, %cond3A_212 : i32
      scf.if %cond3A_213 {
        %add3A_515 = arith.constant 6 : i32
        %add3A_516 = arith.addi %add3A_175, %add3A_515 : i32
        %dma_start3A_517 = arith.constant 6 : i32
        %dma_start3A_518 = arith.constant 0 : i32
        %dma_start3A_519 = arith.constant 0 : i32
        %dma_start3A_520 = tpu.memref_slice %arg11[%dma_start3A_517, %dma_start3A_518, %dma_start3A_519] : memref<8x125x64xf32, #tpu.memory_space<vmem>> -> memref<1x125x64xf32, #tpu.memory_space<vmem>>
        %dma_start3A_521 = tpu.memref_squeeze %dma_start3A_520 : memref<1x125x64xf32, #tpu.memory_space<vmem>> -> memref<125x64xf32, #tpu.memory_space<vmem>>
        %dma_start3A_522 = arith.constant 0 : i32
        %dma_start3A_523 = tpu.memref_slice %arg9[%add3A_516, %dma_start3A_522] : memref<80x125xi32, #tpu.memory_space<vmem>> -> memref<1x125xi32, #tpu.memory_space<vmem>>
        %dma_start3A_524 = tpu.memref_squeeze %dma_start3A_523 : memref<1x125xi32, #tpu.memory_space<vmem>> -> memref<125xi32, #tpu.memory_space<vmem>>
        %dma_start3A_525 = arith.constant 0 : i32
        %dma_start3A_526 = arith.constant 0 : i32
        %dma_start3A_527 = tpu.memref_slice %arg2[%dma_start3A_525, %dma_start3A_526] : memref<20000x64xf32, #tpu.memory_space<hbm>> -> memref<20000x64xf32, #tpu.memory_space<hbm>>
        tpu.enqueue_indirect_dma source(%dma_start3A_527 : memref<20000x64xf32, #tpu.memory_space<hbm>>) target(%dma_start3A_521 : memref<125x64xf32, #tpu.memory_space<vmem>>) offsets(%dma_start3A_524 : memref<125xi32, #tpu.memory_space<vmem>>) semaphore(%arg22 : memref<!tpu.dma_semaphore, #tpu.memory_space<semaphore_mem>>)
      } else {
      }
      %mul3A_214 = arith.constant 8 : i32
      %mul3A_215 = arith.muli %mul3A_214, %scan3A_171 : i32
      %add3A_216 = arith.constant 1 : i32
      %add3A_217 = arith.addi %mul3A_215, %add3A_216 : i32
      %dma_wait3A_218 = arith.constant 1 : i32
      %dma_wait3A_219 = arith.constant 0 : i32
      %dma_wait3A_220 = arith.constant 0 : i32
      %dma_wait3A_221 = tpu.memref_slice %arg11[%dma_wait3A_218, %dma_wait3A_219, %dma_wait3A_220] : memref<8x125x64xf32, #tpu.memory_space<vmem>> -> memref<1x125x64xf32, #tpu.memory_space<vmem>>
      %dma_wait3A_222 = tpu.memref_squeeze %dma_wait3A_221 : memref<1x125x64xf32, #tpu.memory_space<vmem>> -> memref<125x64xf32, #tpu.memory_space<vmem>>
      %dma_wait3A_223 = arith.constant 0 : i32
      %dma_wait3A_224 = tpu.memref_slice %arg9[%add3A_217, %dma_wait3A_223] : memref<80x125xi32, #tpu.memory_space<vmem>> -> memref<1x125xi32, #tpu.memory_space<vmem>>
      %dma_wait3A_225 = tpu.memref_squeeze %dma_wait3A_224 : memref<1x125xi32, #tpu.memory_space<vmem>> -> memref<125xi32, #tpu.memory_space<vmem>>
      %dma_wait3A_226 = arith.constant 0 : i32
      %dma_wait3A_227 = arith.constant 0 : i32
      %dma_wait3A_228 = tpu.memref_slice %arg2[%dma_wait3A_226, %dma_wait3A_227] : memref<20000x64xf32, #tpu.memory_space<hbm>> -> memref<20000x64xf32, #tpu.memory_space<hbm>>
      tpu.wait_indirect_dma semaphore(%arg17 : memref<!tpu.dma_semaphore, #tpu.memory_space<semaphore_mem>>) src(%dma_wait3A_228 : memref<20000x64xf32, #tpu.memory_space<hbm>>) dst(%dma_wait3A_222 : memref<125x64xf32, #tpu.memory_space<vmem>>)
      %dma_start3A_229 = arith.constant 1 : i32
      %dma_start3A_230 = arith.constant 0 : i32
      %dma_start3A_231 = arith.constant 0 : i32
      %dma_start3A_232 = tpu.memref_slice %arg11[%dma_start3A_229, %dma_start3A_230, %dma_start3A_231] : memref<8x125x64xf32, #tpu.memory_space<vmem>> -> memref<1x125x64xf32, #tpu.memory_space<vmem>>
      %dma_start3A_233 = tpu.memref_squeeze %dma_start3A_232 : memref<1x125x64xf32, #tpu.memory_space<vmem>> -> memref<125x64xf32, #tpu.memory_space<vmem>>
      %dma_start3A_234 = arith.constant 0 : i32
      %dma_start3A_235 = tpu.memref_slice %arg10[%add3A_217, %dma_start3A_234] : memref<80x125xi32, #tpu.memory_space<vmem>> -> memref<1x125xi32, #tpu.memory_space<vmem>>
      %dma_start3A_236 = tpu.memref_squeeze %dma_start3A_235 : memref<1x125xi32, #tpu.memory_space<vmem>> -> memref<125xi32, #tpu.memory_space<vmem>>
      %dma_start3A_237 = arith.constant 0 : i32
      %dma_start3A_238 = arith.constant 0 : i32
      %dma_start3A_239 = tpu.memref_slice %arg14[%dma_start3A_237, %dma_start3A_238] : memref<10000x64xf32, #tpu.memory_space<vmem_shared>> -> memref<10000x64xf32, #tpu.memory_space<vmem_shared>>
      tpu.enqueue_indirect_dma source(%dma_start3A_233 : memref<125x64xf32, #tpu.memory_space<vmem>>) target(%dma_start3A_239 : memref<10000x64xf32, #tpu.memory_space<vmem_shared>>) offsets(%dma_start3A_236 : memref<125xi32, #tpu.memory_space<vmem>>) semaphore(%arg25 : memref<!tpu.dma_semaphore, #tpu.memory_space<semaphore_mem>>) {add = true}
      %dma_start3A_240 = arith.constant 0 : i32
      %dma_start3A_241 = tpu.memref_slice %arg12[%dma_start3A_240] : memref<128xf32, #tpu.memory_space<vmem>> -> memref<125xf32, #tpu.memory_space<vmem>>
      %dma_start3A_242 = arith.constant 0 : i32
      %dma_start3A_243 = tpu.memref_slice %arg10[%add3A_217, %dma_start3A_242] : memref<80x125xi32, #tpu.memory_space<vmem>> -> memref<1x125xi32, #tpu.memory_space<vmem>>
      %dma_start3A_244 = tpu.memref_squeeze %dma_start3A_243 : memref<1x125xi32, #tpu.memory_space<vmem>> -> memref<125xi32, #tpu.memory_space<vmem>>
      %dma_start3A_245 = arith.constant 0 : i32
      %dma_start3A_246 = tpu.memref_slice %arg15[%dma_start3A_245] : memref<10000xf32, #tpu.memory_space<vmem_shared>> -> memref<10000xf32, #tpu.memory_space<vmem_shared>>
      tpu.enqueue_indirect_dma source(%dma_start3A_241 : memref<125xf32, #tpu.memory_space<vmem>>) target(%dma_start3A_246 : memref<10000xf32, #tpu.memory_space<vmem_shared>>) offsets(%dma_start3A_244 : memref<125xi32, #tpu.memory_space<vmem>>) semaphore(%arg33 : memref<!tpu.dma_semaphore, #tpu.memory_space<semaphore_mem>>) {add = true}
      %ge3A_247 = arith.constant 2 : i32
      %ge3A_248 = arith.cmpi sge, %add3A_217, %ge3A_247 : i32
      %convert_element_type3A_249 = arith.extui %ge3A_248 : i1 to i32
      %cond3A_250 = arith.constant 0 : i32
      %cond3A_251 = arith.cmpi ne, %convert_element_type3A_249, %cond3A_250 : i32
      scf.if %cond3A_251 {
        %sub3A = arith.constant 2 : i32
        %sub3A_515 = arith.subi %add3A_217, %sub3A : i32
        %dma_wait3A_516 = arith.constant 7 : i32
        %dma_wait3A_517 = arith.constant 0 : i32
        %dma_wait3A_518 = arith.constant 0 : i32
        %dma_wait3A_519 = tpu.memref_slice %arg11[%dma_wait3A_516, %dma_wait3A_517, %dma_wait3A_518] : memref<8x125x64xf32, #tpu.memory_space<vmem>> -> memref<1x125x64xf32, #tpu.memory_space<vmem>>
        %dma_wait3A_520 = tpu.memref_squeeze %dma_wait3A_519 : memref<1x125x64xf32, #tpu.memory_space<vmem>> -> memref<125x64xf32, #tpu.memory_space<vmem>>
        %dma_wait3A_521 = arith.constant 0 : i32
        %dma_wait3A_522 = tpu.memref_slice %arg10[%sub3A_515, %dma_wait3A_521] : memref<80x125xi32, #tpu.memory_space<vmem>> -> memref<1x125xi32, #tpu.memory_space<vmem>>
        %dma_wait3A_523 = tpu.memref_squeeze %dma_wait3A_522 : memref<1x125xi32, #tpu.memory_space<vmem>> -> memref<125xi32, #tpu.memory_space<vmem>>
        %dma_wait3A_524 = arith.constant 0 : i32
        %dma_wait3A_525 = arith.constant 0 : i32
        %dma_wait3A_526 = tpu.memref_slice %arg14[%dma_wait3A_524, %dma_wait3A_525] : memref<10000x64xf32, #tpu.memory_space<vmem_shared>> -> memref<10000x64xf32, #tpu.memory_space<vmem_shared>>
        tpu.wait_indirect_dma semaphore(%arg31 : memref<!tpu.dma_semaphore, #tpu.memory_space<semaphore_mem>>) src(%dma_wait3A_520 : memref<125x64xf32, #tpu.memory_space<vmem>>) dst(%dma_wait3A_526 : memref<10000x64xf32, #tpu.memory_space<vmem_shared>>)
        %sub3A_527 = arith.constant 2 : i32
        %sub3A_528 = arith.subi %add3A_217, %sub3A_527 : i32
        %dma_wait3A_529 = arith.constant 0 : i32
        %dma_wait3A_530 = tpu.memref_slice %arg12[%dma_wait3A_529] : memref<128xf32, #tpu.memory_space<vmem>> -> memref<125xf32, #tpu.memory_space<vmem>>
        %dma_wait3A_531 = arith.constant 0 : i32
        %dma_wait3A_532 = tpu.memref_slice %arg10[%sub3A_528, %dma_wait3A_531] : memref<80x125xi32, #tpu.memory_space<vmem>> -> memref<1x125xi32, #tpu.memory_space<vmem>>
        %dma_wait3A_533 = tpu.memref_squeeze %dma_wait3A_532 : memref<1x125xi32, #tpu.memory_space<vmem>> -> memref<125xi32, #tpu.memory_space<vmem>>
        %dma_wait3A_534 = arith.constant 0 : i32
        %dma_wait3A_535 = tpu.memref_slice %arg15[%dma_wait3A_534] : memref<10000xf32, #tpu.memory_space<vmem_shared>> -> memref<10000xf32, #tpu.memory_space<vmem_shared>>
        tpu.wait_indirect_dma semaphore(%arg39 : memref<!tpu.dma_semaphore, #tpu.memory_space<semaphore_mem>>) src(%dma_wait3A_530 : memref<125xf32, #tpu.memory_space<vmem>>) dst(%dma_wait3A_535 : memref<10000xf32, #tpu.memory_space<vmem_shared>>)
      } else {
      }
      %lt3A_252 = arith.constant 74 : i32
      %lt3A_253 = arith.cmpi slt, %add3A_217, %lt3A_252 : i32
      %convert_element_type3A_254 = arith.extui %lt3A_253 : i1 to i32
      %cond3A_255 = arith.constant 0 : i32
      %cond3A_256 = arith.cmpi ne, %convert_element_type3A_254, %cond3A_255 : i32
      scf.if %cond3A_256 {
        %add3A_515 = arith.constant 6 : i32
        %add3A_516 = arith.addi %add3A_217, %add3A_515 : i32
        %dma_start3A_517 = arith.constant 7 : i32
        %dma_start3A_518 = arith.constant 0 : i32
        %dma_start3A_519 = arith.constant 0 : i32
        %dma_start3A_520 = tpu.memref_slice %arg11[%dma_start3A_517, %dma_start3A_518, %dma_start3A_519] : memref<8x125x64xf32, #tpu.memory_space<vmem>> -> memref<1x125x64xf32, #tpu.memory_space<vmem>>
        %dma_start3A_521 = tpu.memref_squeeze %dma_start3A_520 : memref<1x125x64xf32, #tpu.memory_space<vmem>> -> memref<125x64xf32, #tpu.memory_space<vmem>>
        %dma_start3A_522 = arith.constant 0 : i32
        %dma_start3A_523 = tpu.memref_slice %arg9[%add3A_516, %dma_start3A_522] : memref<80x125xi32, #tpu.memory_space<vmem>> -> memref<1x125xi32, #tpu.memory_space<vmem>>
        %dma_start3A_524 = tpu.memref_squeeze %dma_start3A_523 : memref<1x125xi32, #tpu.memory_space<vmem>> -> memref<125xi32, #tpu.memory_space<vmem>>
        %dma_start3A_525 = arith.constant 0 : i32
        %dma_start3A_526 = arith.constant 0 : i32
        %dma_start3A_527 = tpu.memref_slice %arg2[%dma_start3A_525, %dma_start3A_526] : memref<20000x64xf32, #tpu.memory_space<hbm>> -> memref<20000x64xf32, #tpu.memory_space<hbm>>
        tpu.enqueue_indirect_dma source(%dma_start3A_527 : memref<20000x64xf32, #tpu.memory_space<hbm>>) target(%dma_start3A_521 : memref<125x64xf32, #tpu.memory_space<vmem>>) offsets(%dma_start3A_524 : memref<125xi32, #tpu.memory_space<vmem>>) semaphore(%arg23 : memref<!tpu.dma_semaphore, #tpu.memory_space<semaphore_mem>>)
      } else {
      }
      %mul3A_257 = arith.constant 8 : i32
      %mul3A_258 = arith.muli %mul3A_257, %scan3A_171 : i32
      %add3A_259 = arith.constant 2 : i32
      %add3A_260 = arith.addi %mul3A_258, %add3A_259 : i32
      %dma_wait3A_261 = arith.constant 2 : i32
      %dma_wait3A_262 = arith.constant 0 : i32
      %dma_wait3A_263 = arith.constant 0 : i32
      %dma_wait3A_264 = tpu.memref_slice %arg11[%dma_wait3A_261, %dma_wait3A_262, %dma_wait3A_263] : memref<8x125x64xf32, #tpu.memory_space<vmem>> -> memref<1x125x64xf32, #tpu.memory_space<vmem>>
      %dma_wait3A_265 = tpu.memref_squeeze %dma_wait3A_264 : memref<1x125x64xf32, #tpu.memory_space<vmem>> -> memref<125x64xf32, #tpu.memory_space<vmem>>
      %dma_wait3A_266 = arith.constant 0 : i32
      %dma_wait3A_267 = tpu.memref_slice %arg9[%add3A_260, %dma_wait3A_266] : memref<80x125xi32, #tpu.memory_space<vmem>> -> memref<1x125xi32, #tpu.memory_space<vmem>>
      %dma_wait3A_268 = tpu.memref_squeeze %dma_wait3A_267 : memref<1x125xi32, #tpu.memory_space<vmem>> -> memref<125xi32, #tpu.memory_space<vmem>>
      %dma_wait3A_269 = arith.constant 0 : i32
      %dma_wait3A_270 = arith.constant 0 : i32
      %dma_wait3A_271 = tpu.memref_slice %arg2[%dma_wait3A_269, %dma_wait3A_270] : memref<20000x64xf32, #tpu.memory_space<hbm>> -> memref<20000x64xf32, #tpu.memory_space<hbm>>
      tpu.wait_indirect_dma semaphore(%arg18 : memref<!tpu.dma_semaphore, #tpu.memory_space<semaphore_mem>>) src(%dma_wait3A_271 : memref<20000x64xf32, #tpu.memory_space<hbm>>) dst(%dma_wait3A_265 : memref<125x64xf32, #tpu.memory_space<vmem>>)
      %dma_start3A_272 = arith.constant 2 : i32
      %dma_start3A_273 = arith.constant 0 : i32
      %dma_start3A_274 = arith.constant 0 : i32
      %dma_start3A_275 = tpu.memref_slice %arg11[%dma_start3A_272, %dma_start3A_273, %dma_start3A_274] : memref<8x125x64xf32, #tpu.memory_space<vmem>> -> memref<1x125x64xf32, #tpu.memory_space<vmem>>
      %dma_start3A_276 = tpu.memref_squeeze %dma_start3A_275 : memref<1x125x64xf32, #tpu.memory_space<vmem>> -> memref<125x64xf32, #tpu.memory_space<vmem>>
      %dma_start3A_277 = arith.constant 0 : i32
      %dma_start3A_278 = tpu.memref_slice %arg10[%add3A_260, %dma_start3A_277] : memref<80x125xi32, #tpu.memory_space<vmem>> -> memref<1x125xi32, #tpu.memory_space<vmem>>
      %dma_start3A_279 = tpu.memref_squeeze %dma_start3A_278 : memref<1x125xi32, #tpu.memory_space<vmem>> -> memref<125xi32, #tpu.memory_space<vmem>>
      %dma_start3A_280 = arith.constant 0 : i32
      %dma_start3A_281 = arith.constant 0 : i32
      %dma_start3A_282 = tpu.memref_slice %arg14[%dma_start3A_280, %dma_start3A_281] : memref<10000x64xf32, #tpu.memory_space<vmem_shared>> -> memref<10000x64xf32, #tpu.memory_space<vmem_shared>>
      tpu.enqueue_indirect_dma source(%dma_start3A_276 : memref<125x64xf32, #tpu.memory_space<vmem>>) target(%dma_start3A_282 : memref<10000x64xf32, #tpu.memory_space<vmem_shared>>) offsets(%dma_start3A_279 : memref<125xi32, #tpu.memory_space<vmem>>) semaphore(%arg26 : memref<!tpu.dma_semaphore, #tpu.memory_space<semaphore_mem>>) {add = true}
      %dma_start3A_283 = arith.constant 0 : i32
      %dma_start3A_284 = tpu.memref_slice %arg12[%dma_start3A_283] : memref<128xf32, #tpu.memory_space<vmem>> -> memref<125xf32, #tpu.memory_space<vmem>>
      %dma_start3A_285 = arith.constant 0 : i32
      %dma_start3A_286 = tpu.memref_slice %arg10[%add3A_260, %dma_start3A_285] : memref<80x125xi32, #tpu.memory_space<vmem>> -> memref<1x125xi32, #tpu.memory_space<vmem>>
      %dma_start3A_287 = tpu.memref_squeeze %dma_start3A_286 : memref<1x125xi32, #tpu.memory_space<vmem>> -> memref<125xi32, #tpu.memory_space<vmem>>
      %dma_start3A_288 = arith.constant 0 : i32
      %dma_start3A_289 = tpu.memref_slice %arg15[%dma_start3A_288] : memref<10000xf32, #tpu.memory_space<vmem_shared>> -> memref<10000xf32, #tpu.memory_space<vmem_shared>>
      tpu.enqueue_indirect_dma source(%dma_start3A_284 : memref<125xf32, #tpu.memory_space<vmem>>) target(%dma_start3A_289 : memref<10000xf32, #tpu.memory_space<vmem_shared>>) offsets(%dma_start3A_287 : memref<125xi32, #tpu.memory_space<vmem>>) semaphore(%arg34 : memref<!tpu.dma_semaphore, #tpu.memory_space<semaphore_mem>>) {add = true}
      %ge3A_290 = arith.constant 2 : i32
      %ge3A_291 = arith.cmpi sge, %add3A_260, %ge3A_290 : i32
      %convert_element_type3A_292 = arith.extui %ge3A_291 : i1 to i32
      %cond3A_293 = arith.constant 0 : i32
      %cond3A_294 = arith.cmpi ne, %convert_element_type3A_292, %cond3A_293 : i32
      scf.if %cond3A_294 {
        %sub3A = arith.constant 2 : i32
        %sub3A_515 = arith.subi %add3A_260, %sub3A : i32
        %dma_wait3A_516 = arith.constant 0 : i32
        %dma_wait3A_517 = arith.constant 0 : i32
        %dma_wait3A_518 = arith.constant 0 : i32
        %dma_wait3A_519 = tpu.memref_slice %arg11[%dma_wait3A_516, %dma_wait3A_517, %dma_wait3A_518] : memref<8x125x64xf32, #tpu.memory_space<vmem>> -> memref<1x125x64xf32, #tpu.memory_space<vmem>>
        %dma_wait3A_520 = tpu.memref_squeeze %dma_wait3A_519 : memref<1x125x64xf32, #tpu.memory_space<vmem>> -> memref<125x64xf32, #tpu.memory_space<vmem>>
        %dma_wait3A_521 = arith.constant 0 : i32
        %dma_wait3A_522 = tpu.memref_slice %arg10[%sub3A_515, %dma_wait3A_521] : memref<80x125xi32, #tpu.memory_space<vmem>> -> memref<1x125xi32, #tpu.memory_space<vmem>>
        %dma_wait3A_523 = tpu.memref_squeeze %dma_wait3A_522 : memref<1x125xi32, #tpu.memory_space<vmem>> -> memref<125xi32, #tpu.memory_space<vmem>>
        %dma_wait3A_524 = arith.constant 0 : i32
        %dma_wait3A_525 = arith.constant 0 : i32
        %dma_wait3A_526 = tpu.memref_slice %arg14[%dma_wait3A_524, %dma_wait3A_525] : memref<10000x64xf32, #tpu.memory_space<vmem_shared>> -> memref<10000x64xf32, #tpu.memory_space<vmem_shared>>
        tpu.wait_indirect_dma semaphore(%arg24 : memref<!tpu.dma_semaphore, #tpu.memory_space<semaphore_mem>>) src(%dma_wait3A_520 : memref<125x64xf32, #tpu.memory_space<vmem>>) dst(%dma_wait3A_526 : memref<10000x64xf32, #tpu.memory_space<vmem_shared>>)
        %sub3A_527 = arith.constant 2 : i32
        %sub3A_528 = arith.subi %add3A_260, %sub3A_527 : i32
        %dma_wait3A_529 = arith.constant 0 : i32
        %dma_wait3A_530 = tpu.memref_slice %arg12[%dma_wait3A_529] : memref<128xf32, #tpu.memory_space<vmem>> -> memref<125xf32, #tpu.memory_space<vmem>>
        %dma_wait3A_531 = arith.constant 0 : i32
        %dma_wait3A_532 = tpu.memref_slice %arg10[%sub3A_528, %dma_wait3A_531] : memref<80x125xi32, #tpu.memory_space<vmem>> -> memref<1x125xi32, #tpu.memory_space<vmem>>
        %dma_wait3A_533 = tpu.memref_squeeze %dma_wait3A_532 : memref<1x125xi32, #tpu.memory_space<vmem>> -> memref<125xi32, #tpu.memory_space<vmem>>
        %dma_wait3A_534 = arith.constant 0 : i32
        %dma_wait3A_535 = tpu.memref_slice %arg15[%dma_wait3A_534] : memref<10000xf32, #tpu.memory_space<vmem_shared>> -> memref<10000xf32, #tpu.memory_space<vmem_shared>>
        tpu.wait_indirect_dma semaphore(%arg32 : memref<!tpu.dma_semaphore, #tpu.memory_space<semaphore_mem>>) src(%dma_wait3A_530 : memref<125xf32, #tpu.memory_space<vmem>>) dst(%dma_wait3A_535 : memref<10000xf32, #tpu.memory_space<vmem_shared>>)
      } else {
      }
      %lt3A_295 = arith.constant 74 : i32
      %lt3A_296 = arith.cmpi slt, %add3A_260, %lt3A_295 : i32
      %convert_element_type3A_297 = arith.extui %lt3A_296 : i1 to i32
      %cond3A_298 = arith.constant 0 : i32
      %cond3A_299 = arith.cmpi ne, %convert_element_type3A_297, %cond3A_298 : i32
      scf.if %cond3A_299 {
        %add3A_515 = arith.constant 6 : i32
        %add3A_516 = arith.addi %add3A_260, %add3A_515 : i32
        %dma_start3A_517 = arith.constant 0 : i32
        %dma_start3A_518 = arith.constant 0 : i32
        %dma_start3A_519 = arith.constant 0 : i32
        %dma_start3A_520 = tpu.memref_slice %arg11[%dma_start3A_517, %dma_start3A_518, %dma_start3A_519] : memref<8x125x64xf32, #tpu.memory_space<vmem>> -> memref<1x125x64xf32, #tpu.memory_space<vmem>>
        %dma_start3A_521 = tpu.memref_squeeze %dma_start3A_520 : memref<1x125x64xf32, #tpu.memory_space<vmem>> -> memref<125x64xf32, #tpu.memory_space<vmem>>
        %dma_start3A_522 = arith.constant 0 : i32
        %dma_start3A_523 = tpu.memref_slice %arg9[%add3A_516, %dma_start3A_522] : memref<80x125xi32, #tpu.memory_space<vmem>> -> memref<1x125xi32, #tpu.memory_space<vmem>>
        %dma_start3A_524 = tpu.memref_squeeze %dma_start3A_523 : memref<1x125xi32, #tpu.memory_space<vmem>> -> memref<125xi32, #tpu.memory_space<vmem>>
        %dma_start3A_525 = arith.constant 0 : i32
        %dma_start3A_526 = arith.constant 0 : i32
        %dma_start3A_527 = tpu.memref_slice %arg2[%dma_start3A_525, %dma_start3A_526] : memref<20000x64xf32, #tpu.memory_space<hbm>> -> memref<20000x64xf32, #tpu.memory_space<hbm>>
        tpu.enqueue_indirect_dma source(%dma_start3A_527 : memref<20000x64xf32, #tpu.memory_space<hbm>>) target(%dma_start3A_521 : memref<125x64xf32, #tpu.memory_space<vmem>>) offsets(%dma_start3A_524 : memref<125xi32, #tpu.memory_space<vmem>>) semaphore(%arg16 : memref<!tpu.dma_semaphore, #tpu.memory_space<semaphore_mem>>)
      } else {
      }
      %mul3A_300 = arith.constant 8 : i32
      %mul3A_301 = arith.muli %mul3A_300, %scan3A_171 : i32
      %add3A_302 = arith.constant 3 : i32
      %add3A_303 = arith.addi %mul3A_301, %add3A_302 : i32
      %dma_wait3A_304 = arith.constant 3 : i32
      %dma_wait3A_305 = arith.constant 0 : i32
      %dma_wait3A_306 = arith.constant 0 : i32
      %dma_wait3A_307 = tpu.memref_slice %arg11[%dma_wait3A_304, %dma_wait3A_305, %dma_wait3A_306] : memref<8x125x64xf32, #tpu.memory_space<vmem>> -> memref<1x125x64xf32, #tpu.memory_space<vmem>>
      %dma_wait3A_308 = tpu.memref_squeeze %dma_wait3A_307 : memref<1x125x64xf32, #tpu.memory_space<vmem>> -> memref<125x64xf32, #tpu.memory_space<vmem>>
      %dma_wait3A_309 = arith.constant 0 : i32
      %dma_wait3A_310 = tpu.memref_slice %arg9[%add3A_303, %dma_wait3A_309] : memref<80x125xi32, #tpu.memory_space<vmem>> -> memref<1x125xi32, #tpu.memory_space<vmem>>
      %dma_wait3A_311 = tpu.memref_squeeze %dma_wait3A_310 : memref<1x125xi32, #tpu.memory_space<vmem>> -> memref<125xi32, #tpu.memory_space<vmem>>
      %dma_wait3A_312 = arith.constant 0 : i32
      %dma_wait3A_313 = arith.constant 0 : i32
      %dma_wait3A_314 = tpu.memref_slice %arg2[%dma_wait3A_312, %dma_wait3A_313] : memref<20000x64xf32, #tpu.memory_space<hbm>> -> memref<20000x64xf32, #tpu.memory_space<hbm>>
      tpu.wait_indirect_dma semaphore(%arg19 : memref<!tpu.dma_semaphore, #tpu.memory_space<semaphore_mem>>) src(%dma_wait3A_314 : memref<20000x64xf32, #tpu.memory_space<hbm>>) dst(%dma_wait3A_308 : memref<125x64xf32, #tpu.memory_space<vmem>>)
      %dma_start3A_315 = arith.constant 3 : i32
      %dma_start3A_316 = arith.constant 0 : i32
      %dma_start3A_317 = arith.constant 0 : i32
      %dma_start3A_318 = tpu.memref_slice %arg11[%dma_start3A_315, %dma_start3A_316, %dma_start3A_317] : memref<8x125x64xf32, #tpu.memory_space<vmem>> -> memref<1x125x64xf32, #tpu.memory_space<vmem>>
      %dma_start3A_319 = tpu.memref_squeeze %dma_start3A_318 : memref<1x125x64xf32, #tpu.memory_space<vmem>> -> memref<125x64xf32, #tpu.memory_space<vmem>>
      %dma_start3A_320 = arith.constant 0 : i32
      %dma_start3A_321 = tpu.memref_slice %arg10[%add3A_303, %dma_start3A_320] : memref<80x125xi32, #tpu.memory_space<vmem>> -> memref<1x125xi32, #tpu.memory_space<vmem>>
      %dma_start3A_322 = tpu.memref_squeeze %dma_start3A_321 : memref<1x125xi32, #tpu.memory_space<vmem>> -> memref<125xi32, #tpu.memory_space<vmem>>
      %dma_start3A_323 = arith.constant 0 : i32
      %dma_start3A_324 = arith.constant 0 : i32
      %dma_start3A_325 = tpu.memref_slice %arg14[%dma_start3A_323, %dma_start3A_324] : memref<10000x64xf32, #tpu.memory_space<vmem_shared>> -> memref<10000x64xf32, #tpu.memory_space<vmem_shared>>
      tpu.enqueue_indirect_dma source(%dma_start3A_319 : memref<125x64xf32, #tpu.memory_space<vmem>>) target(%dma_start3A_325 : memref<10000x64xf32, #tpu.memory_space<vmem_shared>>) offsets(%dma_start3A_322 : memref<125xi32, #tpu.memory_space<vmem>>) semaphore(%arg27 : memref<!tpu.dma_semaphore, #tpu.memory_space<semaphore_mem>>) {add = true}
      %dma_start3A_326 = arith.constant 0 : i32
      %dma_start3A_327 = tpu.memref_slice %arg12[%dma_start3A_326] : memref<128xf32, #tpu.memory_space<vmem>> -> memref<125xf32, #tpu.memory_space<vmem>>
      %dma_start3A_328 = arith.constant 0 : i32
      %dma_start3A_329 = tpu.memref_slice %arg10[%add3A_303, %dma_start3A_328] : memref<80x125xi32, #tpu.memory_space<vmem>> -> memref<1x125xi32, #tpu.memory_space<vmem>>
      %dma_start3A_330 = tpu.memref_squeeze %dma_start3A_329 : memref<1x125xi32, #tpu.memory_space<vmem>> -> memref<125xi32, #tpu.memory_space<vmem>>
      %dma_start3A_331 = arith.constant 0 : i32
      %dma_start3A_332 = tpu.memref_slice %arg15[%dma_start3A_331] : memref<10000xf32, #tpu.memory_space<vmem_shared>> -> memref<10000xf32, #tpu.memory_space<vmem_shared>>
      tpu.enqueue_indirect_dma source(%dma_start3A_327 : memref<125xf32, #tpu.memory_space<vmem>>) target(%dma_start3A_332 : memref<10000xf32, #tpu.memory_space<vmem_shared>>) offsets(%dma_start3A_330 : memref<125xi32, #tpu.memory_space<vmem>>) semaphore(%arg35 : memref<!tpu.dma_semaphore, #tpu.memory_space<semaphore_mem>>) {add = true}
      %ge3A_333 = arith.constant 2 : i32
      %ge3A_334 = arith.cmpi sge, %add3A_303, %ge3A_333 : i32
      %convert_element_type3A_335 = arith.extui %ge3A_334 : i1 to i32
      %cond3A_336 = arith.constant 0 : i32
      %cond3A_337 = arith.cmpi ne, %convert_element_type3A_335, %cond3A_336 : i32
      scf.if %cond3A_337 {
        %sub3A = arith.constant 2 : i32
        %sub3A_515 = arith.subi %add3A_303, %sub3A : i32
        %dma_wait3A_516 = arith.constant 1 : i32
        %dma_wait3A_517 = arith.constant 0 : i32
        %dma_wait3A_518 = arith.constant 0 : i32
        %dma_wait3A_519 = tpu.memref_slice %arg11[%dma_wait3A_516, %dma_wait3A_517, %dma_wait3A_518] : memref<8x125x64xf32, #tpu.memory_space<vmem>> -> memref<1x125x64xf32, #tpu.memory_space<vmem>>
        %dma_wait3A_520 = tpu.memref_squeeze %dma_wait3A_519 : memref<1x125x64xf32, #tpu.memory_space<vmem>> -> memref<125x64xf32, #tpu.memory_space<vmem>>
        %dma_wait3A_521 = arith.constant 0 : i32
        %dma_wait3A_522 = tpu.memref_slice %arg10[%sub3A_515, %dma_wait3A_521] : memref<80x125xi32, #tpu.memory_space<vmem>> -> memref<1x125xi32, #tpu.memory_space<vmem>>
        %dma_wait3A_523 = tpu.memref_squeeze %dma_wait3A_522 : memref<1x125xi32, #tpu.memory_space<vmem>> -> memref<125xi32, #tpu.memory_space<vmem>>
        %dma_wait3A_524 = arith.constant 0 : i32
        %dma_wait3A_525 = arith.constant 0 : i32
        %dma_wait3A_526 = tpu.memref_slice %arg14[%dma_wait3A_524, %dma_wait3A_525] : memref<10000x64xf32, #tpu.memory_space<vmem_shared>> -> memref<10000x64xf32, #tpu.memory_space<vmem_shared>>
        tpu.wait_indirect_dma semaphore(%arg25 : memref<!tpu.dma_semaphore, #tpu.memory_space<semaphore_mem>>) src(%dma_wait3A_520 : memref<125x64xf32, #tpu.memory_space<vmem>>) dst(%dma_wait3A_526 : memref<10000x64xf32, #tpu.memory_space<vmem_shared>>)
        %sub3A_527 = arith.constant 2 : i32
        %sub3A_528 = arith.subi %add3A_303, %sub3A_527 : i32
        %dma_wait3A_529 = arith.constant 0 : i32
        %dma_wait3A_530 = tpu.memref_slice %arg12[%dma_wait3A_529] : memref<128xf32, #tpu.memory_space<vmem>> -> memref<125xf32, #tpu.memory_space<vmem>>
        %dma_wait3A_531 = arith.constant 0 : i32
        %dma_wait3A_532 = tpu.memref_slice %arg10[%sub3A_528, %dma_wait3A_531] : memref<80x125xi32, #tpu.memory_space<vmem>> -> memref<1x125xi32, #tpu.memory_space<vmem>>
        %dma_wait3A_533 = tpu.memref_squeeze %dma_wait3A_532 : memref<1x125xi32, #tpu.memory_space<vmem>> -> memref<125xi32, #tpu.memory_space<vmem>>
        %dma_wait3A_534 = arith.constant 0 : i32
        %dma_wait3A_535 = tpu.memref_slice %arg15[%dma_wait3A_534] : memref<10000xf32, #tpu.memory_space<vmem_shared>> -> memref<10000xf32, #tpu.memory_space<vmem_shared>>
        tpu.wait_indirect_dma semaphore(%arg33 : memref<!tpu.dma_semaphore, #tpu.memory_space<semaphore_mem>>) src(%dma_wait3A_530 : memref<125xf32, #tpu.memory_space<vmem>>) dst(%dma_wait3A_535 : memref<10000xf32, #tpu.memory_space<vmem_shared>>)
      } else {
      }
      %lt3A_338 = arith.constant 74 : i32
      %lt3A_339 = arith.cmpi slt, %add3A_303, %lt3A_338 : i32
      %convert_element_type3A_340 = arith.extui %lt3A_339 : i1 to i32
      %cond3A_341 = arith.constant 0 : i32
      %cond3A_342 = arith.cmpi ne, %convert_element_type3A_340, %cond3A_341 : i32
      scf.if %cond3A_342 {
        %add3A_515 = arith.constant 6 : i32
        %add3A_516 = arith.addi %add3A_303, %add3A_515 : i32
        %dma_start3A_517 = arith.constant 1 : i32
        %dma_start3A_518 = arith.constant 0 : i32
        %dma_start3A_519 = arith.constant 0 : i32
        %dma_start3A_520 = tpu.memref_slice %arg11[%dma_start3A_517, %dma_start3A_518, %dma_start3A_519] : memref<8x125x64xf32, #tpu.memory_space<vmem>> -> memref<1x125x64xf32, #tpu.memory_space<vmem>>
        %dma_start3A_521 = tpu.memref_squeeze %dma_start3A_520 : memref<1x125x64xf32, #tpu.memory_space<vmem>> -> memref<125x64xf32, #tpu.memory_space<vmem>>
        %dma_start3A_522 = arith.constant 0 : i32
        %dma_start3A_523 = tpu.memref_slice %arg9[%add3A_516, %dma_start3A_522] : memref<80x125xi32, #tpu.memory_space<vmem>> -> memref<1x125xi32, #tpu.memory_space<vmem>>
        %dma_start3A_524 = tpu.memref_squeeze %dma_start3A_523 : memref<1x125xi32, #tpu.memory_space<vmem>> -> memref<125xi32, #tpu.memory_space<vmem>>
        %dma_start3A_525 = arith.constant 0 : i32
        %dma_start3A_526 = arith.constant 0 : i32
        %dma_start3A_527 = tpu.memref_slice %arg2[%dma_start3A_525, %dma_start3A_526] : memref<20000x64xf32, #tpu.memory_space<hbm>> -> memref<20000x64xf32, #tpu.memory_space<hbm>>
        tpu.enqueue_indirect_dma source(%dma_start3A_527 : memref<20000x64xf32, #tpu.memory_space<hbm>>) target(%dma_start3A_521 : memref<125x64xf32, #tpu.memory_space<vmem>>) offsets(%dma_start3A_524 : memref<125xi32, #tpu.memory_space<vmem>>) semaphore(%arg17 : memref<!tpu.dma_semaphore, #tpu.memory_space<semaphore_mem>>)
      } else {
      }
      %mul3A_343 = arith.constant 8 : i32
      %mul3A_344 = arith.muli %mul3A_343, %scan3A_171 : i32
      %add3A_345 = arith.constant 4 : i32
      %add3A_346 = arith.addi %mul3A_344, %add3A_345 : i32
      %dma_wait3A_347 = arith.constant 4 : i32
      %dma_wait3A_348 = arith.constant 0 : i32
      %dma_wait3A_349 = arith.constant 0 : i32
      %dma_wait3A_350 = tpu.memref_slice %arg11[%dma_wait3A_347, %dma_wait3A_348, %dma_wait3A_349] : memref<8x125x64xf32, #tpu.memory_space<vmem>> -> memref<1x125x64xf32, #tpu.memory_space<vmem>>
      %dma_wait3A_351 = tpu.memref_squeeze %dma_wait3A_350 : memref<1x125x64xf32, #tpu.memory_space<vmem>> -> memref<125x64xf32, #tpu.memory_space<vmem>>
      %dma_wait3A_352 = arith.constant 0 : i32
      %dma_wait3A_353 = tpu.memref_slice %arg9[%add3A_346, %dma_wait3A_352] : memref<80x125xi32, #tpu.memory_space<vmem>> -> memref<1x125xi32, #tpu.memory_space<vmem>>
      %dma_wait3A_354 = tpu.memref_squeeze %dma_wait3A_353 : memref<1x125xi32, #tpu.memory_space<vmem>> -> memref<125xi32, #tpu.memory_space<vmem>>
      %dma_wait3A_355 = arith.constant 0 : i32
      %dma_wait3A_356 = arith.constant 0 : i32
      %dma_wait3A_357 = tpu.memref_slice %arg2[%dma_wait3A_355, %dma_wait3A_356] : memref<20000x64xf32, #tpu.memory_space<hbm>> -> memref<20000x64xf32, #tpu.memory_space<hbm>>
      tpu.wait_indirect_dma semaphore(%arg20 : memref<!tpu.dma_semaphore, #tpu.memory_space<semaphore_mem>>) src(%dma_wait3A_357 : memref<20000x64xf32, #tpu.memory_space<hbm>>) dst(%dma_wait3A_351 : memref<125x64xf32, #tpu.memory_space<vmem>>)
      %dma_start3A_358 = arith.constant 4 : i32
      %dma_start3A_359 = arith.constant 0 : i32
      %dma_start3A_360 = arith.constant 0 : i32
      %dma_start3A_361 = tpu.memref_slice %arg11[%dma_start3A_358, %dma_start3A_359, %dma_start3A_360] : memref<8x125x64xf32, #tpu.memory_space<vmem>> -> memref<1x125x64xf32, #tpu.memory_space<vmem>>
      %dma_start3A_362 = tpu.memref_squeeze %dma_start3A_361 : memref<1x125x64xf32, #tpu.memory_space<vmem>> -> memref<125x64xf32, #tpu.memory_space<vmem>>
      %dma_start3A_363 = arith.constant 0 : i32
      %dma_start3A_364 = tpu.memref_slice %arg10[%add3A_346, %dma_start3A_363] : memref<80x125xi32, #tpu.memory_space<vmem>> -> memref<1x125xi32, #tpu.memory_space<vmem>>
      %dma_start3A_365 = tpu.memref_squeeze %dma_start3A_364 : memref<1x125xi32, #tpu.memory_space<vmem>> -> memref<125xi32, #tpu.memory_space<vmem>>
      %dma_start3A_366 = arith.constant 0 : i32
      %dma_start3A_367 = arith.constant 0 : i32
      %dma_start3A_368 = tpu.memref_slice %arg14[%dma_start3A_366, %dma_start3A_367] : memref<10000x64xf32, #tpu.memory_space<vmem_shared>> -> memref<10000x64xf32, #tpu.memory_space<vmem_shared>>
      tpu.enqueue_indirect_dma source(%dma_start3A_362 : memref<125x64xf32, #tpu.memory_space<vmem>>) target(%dma_start3A_368 : memref<10000x64xf32, #tpu.memory_space<vmem_shared>>) offsets(%dma_start3A_365 : memref<125xi32, #tpu.memory_space<vmem>>) semaphore(%arg28 : memref<!tpu.dma_semaphore, #tpu.memory_space<semaphore_mem>>) {add = true}
      %dma_start3A_369 = arith.constant 0 : i32
      %dma_start3A_370 = tpu.memref_slice %arg12[%dma_start3A_369] : memref<128xf32, #tpu.memory_space<vmem>> -> memref<125xf32, #tpu.memory_space<vmem>>
      %dma_start3A_371 = arith.constant 0 : i32
      %dma_start3A_372 = tpu.memref_slice %arg10[%add3A_346, %dma_start3A_371] : memref<80x125xi32, #tpu.memory_space<vmem>> -> memref<1x125xi32, #tpu.memory_space<vmem>>
      %dma_start3A_373 = tpu.memref_squeeze %dma_start3A_372 : memref<1x125xi32, #tpu.memory_space<vmem>> -> memref<125xi32, #tpu.memory_space<vmem>>
      %dma_start3A_374 = arith.constant 0 : i32
      %dma_start3A_375 = tpu.memref_slice %arg15[%dma_start3A_374] : memref<10000xf32, #tpu.memory_space<vmem_shared>> -> memref<10000xf32, #tpu.memory_space<vmem_shared>>
      tpu.enqueue_indirect_dma source(%dma_start3A_370 : memref<125xf32, #tpu.memory_space<vmem>>) target(%dma_start3A_375 : memref<10000xf32, #tpu.memory_space<vmem_shared>>) offsets(%dma_start3A_373 : memref<125xi32, #tpu.memory_space<vmem>>) semaphore(%arg36 : memref<!tpu.dma_semaphore, #tpu.memory_space<semaphore_mem>>) {add = true}
      %ge3A_376 = arith.constant 2 : i32
      %ge3A_377 = arith.cmpi sge, %add3A_346, %ge3A_376 : i32
      %convert_element_type3A_378 = arith.extui %ge3A_377 : i1 to i32
      %cond3A_379 = arith.constant 0 : i32
      %cond3A_380 = arith.cmpi ne, %convert_element_type3A_378, %cond3A_379 : i32
      scf.if %cond3A_380 {
        %sub3A = arith.constant 2 : i32
        %sub3A_515 = arith.subi %add3A_346, %sub3A : i32
        %dma_wait3A_516 = arith.constant 2 : i32
        %dma_wait3A_517 = arith.constant 0 : i32
        %dma_wait3A_518 = arith.constant 0 : i32
        %dma_wait3A_519 = tpu.memref_slice %arg11[%dma_wait3A_516, %dma_wait3A_517, %dma_wait3A_518] : memref<8x125x64xf32, #tpu.memory_space<vmem>> -> memref<1x125x64xf32, #tpu.memory_space<vmem>>
        %dma_wait3A_520 = tpu.memref_squeeze %dma_wait3A_519 : memref<1x125x64xf32, #tpu.memory_space<vmem>> -> memref<125x64xf32, #tpu.memory_space<vmem>>
        %dma_wait3A_521 = arith.constant 0 : i32
        %dma_wait3A_522 = tpu.memref_slice %arg10[%sub3A_515, %dma_wait3A_521] : memref<80x125xi32, #tpu.memory_space<vmem>> -> memref<1x125xi32, #tpu.memory_space<vmem>>
        %dma_wait3A_523 = tpu.memref_squeeze %dma_wait3A_522 : memref<1x125xi32, #tpu.memory_space<vmem>> -> memref<125xi32, #tpu.memory_space<vmem>>
        %dma_wait3A_524 = arith.constant 0 : i32
        %dma_wait3A_525 = arith.constant 0 : i32
        %dma_wait3A_526 = tpu.memref_slice %arg14[%dma_wait3A_524, %dma_wait3A_525] : memref<10000x64xf32, #tpu.memory_space<vmem_shared>> -> memref<10000x64xf32, #tpu.memory_space<vmem_shared>>
        tpu.wait_indirect_dma semaphore(%arg26 : memref<!tpu.dma_semaphore, #tpu.memory_space<semaphore_mem>>) src(%dma_wait3A_520 : memref<125x64xf32, #tpu.memory_space<vmem>>) dst(%dma_wait3A_526 : memref<10000x64xf32, #tpu.memory_space<vmem_shared>>)
        %sub3A_527 = arith.constant 2 : i32
        %sub3A_528 = arith.subi %add3A_346, %sub3A_527 : i32
        %dma_wait3A_529 = arith.constant 0 : i32
        %dma_wait3A_530 = tpu.memref_slice %arg12[%dma_wait3A_529] : memref<128xf32, #tpu.memory_space<vmem>> -> memref<125xf32, #tpu.memory_space<vmem>>
        %dma_wait3A_531 = arith.constant 0 : i32
        %dma_wait3A_532 = tpu.memref_slice %arg10[%sub3A_528, %dma_wait3A_531] : memref<80x125xi32, #tpu.memory_space<vmem>> -> memref<1x125xi32, #tpu.memory_space<vmem>>
        %dma_wait3A_533 = tpu.memref_squeeze %dma_wait3A_532 : memref<1x125xi32, #tpu.memory_space<vmem>> -> memref<125xi32, #tpu.memory_space<vmem>>
        %dma_wait3A_534 = arith.constant 0 : i32
        %dma_wait3A_535 = tpu.memref_slice %arg15[%dma_wait3A_534] : memref<10000xf32, #tpu.memory_space<vmem_shared>> -> memref<10000xf32, #tpu.memory_space<vmem_shared>>
        tpu.wait_indirect_dma semaphore(%arg34 : memref<!tpu.dma_semaphore, #tpu.memory_space<semaphore_mem>>) src(%dma_wait3A_530 : memref<125xf32, #tpu.memory_space<vmem>>) dst(%dma_wait3A_535 : memref<10000xf32, #tpu.memory_space<vmem_shared>>)
      } else {
      }
      %lt3A_381 = arith.constant 74 : i32
      %lt3A_382 = arith.cmpi slt, %add3A_346, %lt3A_381 : i32
      %convert_element_type3A_383 = arith.extui %lt3A_382 : i1 to i32
      %cond3A_384 = arith.constant 0 : i32
      %cond3A_385 = arith.cmpi ne, %convert_element_type3A_383, %cond3A_384 : i32
      scf.if %cond3A_385 {
        %add3A_515 = arith.constant 6 : i32
        %add3A_516 = arith.addi %add3A_346, %add3A_515 : i32
        %dma_start3A_517 = arith.constant 2 : i32
        %dma_start3A_518 = arith.constant 0 : i32
        %dma_start3A_519 = arith.constant 0 : i32
        %dma_start3A_520 = tpu.memref_slice %arg11[%dma_start3A_517, %dma_start3A_518, %dma_start3A_519] : memref<8x125x64xf32, #tpu.memory_space<vmem>> -> memref<1x125x64xf32, #tpu.memory_space<vmem>>
        %dma_start3A_521 = tpu.memref_squeeze %dma_start3A_520 : memref<1x125x64xf32, #tpu.memory_space<vmem>> -> memref<125x64xf32, #tpu.memory_space<vmem>>
        %dma_start3A_522 = arith.constant 0 : i32
        %dma_start3A_523 = tpu.memref_slice %arg9[%add3A_516, %dma_start3A_522] : memref<80x125xi32, #tpu.memory_space<vmem>> -> memref<1x125xi32, #tpu.memory_space<vmem>>
        %dma_start3A_524 = tpu.memref_squeeze %dma_start3A_523 : memref<1x125xi32, #tpu.memory_space<vmem>> -> memref<125xi32, #tpu.memory_space<vmem>>
        %dma_start3A_525 = arith.constant 0 : i32
        %dma_start3A_526 = arith.constant 0 : i32
        %dma_start3A_527 = tpu.memref_slice %arg2[%dma_start3A_525, %dma_start3A_526] : memref<20000x64xf32, #tpu.memory_space<hbm>> -> memref<20000x64xf32, #tpu.memory_space<hbm>>
        tpu.enqueue_indirect_dma source(%dma_start3A_527 : memref<20000x64xf32, #tpu.memory_space<hbm>>) target(%dma_start3A_521 : memref<125x64xf32, #tpu.memory_space<vmem>>) offsets(%dma_start3A_524 : memref<125xi32, #tpu.memory_space<vmem>>) semaphore(%arg18 : memref<!tpu.dma_semaphore, #tpu.memory_space<semaphore_mem>>)
      } else {
      }
      %mul3A_386 = arith.constant 8 : i32
      %mul3A_387 = arith.muli %mul3A_386, %scan3A_171 : i32
      %add3A_388 = arith.constant 5 : i32
      %add3A_389 = arith.addi %mul3A_387, %add3A_388 : i32
      %dma_wait3A_390 = arith.constant 5 : i32
      %dma_wait3A_391 = arith.constant 0 : i32
      %dma_wait3A_392 = arith.constant 0 : i32
      %dma_wait3A_393 = tpu.memref_slice %arg11[%dma_wait3A_390, %dma_wait3A_391, %dma_wait3A_392] : memref<8x125x64xf32, #tpu.memory_space<vmem>> -> memref<1x125x64xf32, #tpu.memory_space<vmem>>
      %dma_wait3A_394 = tpu.memref_squeeze %dma_wait3A_393 : memref<1x125x64xf32, #tpu.memory_space<vmem>> -> memref<125x64xf32, #tpu.memory_space<vmem>>
      %dma_wait3A_395 = arith.constant 0 : i32
      %dma_wait3A_396 = tpu.memref_slice %arg9[%add3A_389, %dma_wait3A_395] : memref<80x125xi32, #tpu.memory_space<vmem>> -> memref<1x125xi32, #tpu.memory_space<vmem>>
      %dma_wait3A_397 = tpu.memref_squeeze %dma_wait3A_396 : memref<1x125xi32, #tpu.memory_space<vmem>> -> memref<125xi32, #tpu.memory_space<vmem>>
      %dma_wait3A_398 = arith.constant 0 : i32
      %dma_wait3A_399 = arith.constant 0 : i32
      %dma_wait3A_400 = tpu.memref_slice %arg2[%dma_wait3A_398, %dma_wait3A_399] : memref<20000x64xf32, #tpu.memory_space<hbm>> -> memref<20000x64xf32, #tpu.memory_space<hbm>>
      tpu.wait_indirect_dma semaphore(%arg21 : memref<!tpu.dma_semaphore, #tpu.memory_space<semaphore_mem>>) src(%dma_wait3A_400 : memref<20000x64xf32, #tpu.memory_space<hbm>>) dst(%dma_wait3A_394 : memref<125x64xf32, #tpu.memory_space<vmem>>)
      %dma_start3A_401 = arith.constant 5 : i32
      %dma_start3A_402 = arith.constant 0 : i32
      %dma_start3A_403 = arith.constant 0 : i32
      %dma_start3A_404 = tpu.memref_slice %arg11[%dma_start3A_401, %dma_start3A_402, %dma_start3A_403] : memref<8x125x64xf32, #tpu.memory_space<vmem>> -> memref<1x125x64xf32, #tpu.memory_space<vmem>>
      %dma_start3A_405 = tpu.memref_squeeze %dma_start3A_404 : memref<1x125x64xf32, #tpu.memory_space<vmem>> -> memref<125x64xf32, #tpu.memory_space<vmem>>
      %dma_start3A_406 = arith.constant 0 : i32
      %dma_start3A_407 = tpu.memref_slice %arg10[%add3A_389, %dma_start3A_406] : memref<80x125xi32, #tpu.memory_space<vmem>> -> memref<1x125xi32, #tpu.memory_space<vmem>>
      %dma_start3A_408 = tpu.memref_squeeze %dma_start3A_407 : memref<1x125xi32, #tpu.memory_space<vmem>> -> memref<125xi32, #tpu.memory_space<vmem>>
      %dma_start3A_409 = arith.constant 0 : i32
      %dma_start3A_410 = arith.constant 0 : i32
      %dma_start3A_411 = tpu.memref_slice %arg14[%dma_start3A_409, %dma_start3A_410] : memref<10000x64xf32, #tpu.memory_space<vmem_shared>> -> memref<10000x64xf32, #tpu.memory_space<vmem_shared>>
      tpu.enqueue_indirect_dma source(%dma_start3A_405 : memref<125x64xf32, #tpu.memory_space<vmem>>) target(%dma_start3A_411 : memref<10000x64xf32, #tpu.memory_space<vmem_shared>>) offsets(%dma_start3A_408 : memref<125xi32, #tpu.memory_space<vmem>>) semaphore(%arg29 : memref<!tpu.dma_semaphore, #tpu.memory_space<semaphore_mem>>) {add = true}
      %dma_start3A_412 = arith.constant 0 : i32
      %dma_start3A_413 = tpu.memref_slice %arg12[%dma_start3A_412] : memref<128xf32, #tpu.memory_space<vmem>> -> memref<125xf32, #tpu.memory_space<vmem>>
      %dma_start3A_414 = arith.constant 0 : i32
      %dma_start3A_415 = tpu.memref_slice %arg10[%add3A_389, %dma_start3A_414] : memref<80x125xi32, #tpu.memory_space<vmem>> -> memref<1x125xi32, #tpu.memory_space<vmem>>
      %dma_start3A_416 = tpu.memref_squeeze %dma_start3A_415 : memref<1x125xi32, #tpu.memory_space<vmem>> -> memref<125xi32, #tpu.memory_space<vmem>>
      %dma_start3A_417 = arith.constant 0 : i32
      %dma_start3A_418 = tpu.memref_slice %arg15[%dma_start3A_417] : memref<10000xf32, #tpu.memory_space<vmem_shared>> -> memref<10000xf32, #tpu.memory_space<vmem_shared>>
      tpu.enqueue_indirect_dma source(%dma_start3A_413 : memref<125xf32, #tpu.memory_space<vmem>>) target(%dma_start3A_418 : memref<10000xf32, #tpu.memory_space<vmem_shared>>) offsets(%dma_start3A_416 : memref<125xi32, #tpu.memory_space<vmem>>) semaphore(%arg37 : memref<!tpu.dma_semaphore, #tpu.memory_space<semaphore_mem>>) {add = true}
      %ge3A_419 = arith.constant 2 : i32
      %ge3A_420 = arith.cmpi sge, %add3A_389, %ge3A_419 : i32
      %convert_element_type3A_421 = arith.extui %ge3A_420 : i1 to i32
      %cond3A_422 = arith.constant 0 : i32
      %cond3A_423 = arith.cmpi ne, %convert_element_type3A_421, %cond3A_422 : i32
      scf.if %cond3A_423 {
        %sub3A = arith.constant 2 : i32
        %sub3A_515 = arith.subi %add3A_389, %sub3A : i32
        %dma_wait3A_516 = arith.constant 3 : i32
        %dma_wait3A_517 = arith.constant 0 : i32
        %dma_wait3A_518 = arith.constant 0 : i32
        %dma_wait3A_519 = tpu.memref_slice %arg11[%dma_wait3A_516, %dma_wait3A_517, %dma_wait3A_518] : memref<8x125x64xf32, #tpu.memory_space<vmem>> -> memref<1x125x64xf32, #tpu.memory_space<vmem>>
        %dma_wait3A_520 = tpu.memref_squeeze %dma_wait3A_519 : memref<1x125x64xf32, #tpu.memory_space<vmem>> -> memref<125x64xf32, #tpu.memory_space<vmem>>
        %dma_wait3A_521 = arith.constant 0 : i32
        %dma_wait3A_522 = tpu.memref_slice %arg10[%sub3A_515, %dma_wait3A_521] : memref<80x125xi32, #tpu.memory_space<vmem>> -> memref<1x125xi32, #tpu.memory_space<vmem>>
        %dma_wait3A_523 = tpu.memref_squeeze %dma_wait3A_522 : memref<1x125xi32, #tpu.memory_space<vmem>> -> memref<125xi32, #tpu.memory_space<vmem>>
        %dma_wait3A_524 = arith.constant 0 : i32
        %dma_wait3A_525 = arith.constant 0 : i32
        %dma_wait3A_526 = tpu.memref_slice %arg14[%dma_wait3A_524, %dma_wait3A_525] : memref<10000x64xf32, #tpu.memory_space<vmem_shared>> -> memref<10000x64xf32, #tpu.memory_space<vmem_shared>>
        tpu.wait_indirect_dma semaphore(%arg27 : memref<!tpu.dma_semaphore, #tpu.memory_space<semaphore_mem>>) src(%dma_wait3A_520 : memref<125x64xf32, #tpu.memory_space<vmem>>) dst(%dma_wait3A_526 : memref<10000x64xf32, #tpu.memory_space<vmem_shared>>)
        %sub3A_527 = arith.constant 2 : i32
        %sub3A_528 = arith.subi %add3A_389, %sub3A_527 : i32
        %dma_wait3A_529 = arith.constant 0 : i32
        %dma_wait3A_530 = tpu.memref_slice %arg12[%dma_wait3A_529] : memref<128xf32, #tpu.memory_space<vmem>> -> memref<125xf32, #tpu.memory_space<vmem>>
        %dma_wait3A_531 = arith.constant 0 : i32
        %dma_wait3A_532 = tpu.memref_slice %arg10[%sub3A_528, %dma_wait3A_531] : memref<80x125xi32, #tpu.memory_space<vmem>> -> memref<1x125xi32, #tpu.memory_space<vmem>>
        %dma_wait3A_533 = tpu.memref_squeeze %dma_wait3A_532 : memref<1x125xi32, #tpu.memory_space<vmem>> -> memref<125xi32, #tpu.memory_space<vmem>>
        %dma_wait3A_534 = arith.constant 0 : i32
        %dma_wait3A_535 = tpu.memref_slice %arg15[%dma_wait3A_534] : memref<10000xf32, #tpu.memory_space<vmem_shared>> -> memref<10000xf32, #tpu.memory_space<vmem_shared>>
        tpu.wait_indirect_dma semaphore(%arg35 : memref<!tpu.dma_semaphore, #tpu.memory_space<semaphore_mem>>) src(%dma_wait3A_530 : memref<125xf32, #tpu.memory_space<vmem>>) dst(%dma_wait3A_535 : memref<10000xf32, #tpu.memory_space<vmem_shared>>)
      } else {
      }
      %lt3A_424 = arith.constant 74 : i32
      %lt3A_425 = arith.cmpi slt, %add3A_389, %lt3A_424 : i32
      %convert_element_type3A_426 = arith.extui %lt3A_425 : i1 to i32
      %cond3A_427 = arith.constant 0 : i32
      %cond3A_428 = arith.cmpi ne, %convert_element_type3A_426, %cond3A_427 : i32
      scf.if %cond3A_428 {
        %add3A_515 = arith.constant 6 : i32
        %add3A_516 = arith.addi %add3A_389, %add3A_515 : i32
        %dma_start3A_517 = arith.constant 3 : i32
        %dma_start3A_518 = arith.constant 0 : i32
        %dma_start3A_519 = arith.constant 0 : i32
        %dma_start3A_520 = tpu.memref_slice %arg11[%dma_start3A_517, %dma_start3A_518, %dma_start3A_519] : memref<8x125x64xf32, #tpu.memory_space<vmem>> -> memref<1x125x64xf32, #tpu.memory_space<vmem>>
        %dma_start3A_521 = tpu.memref_squeeze %dma_start3A_520 : memref<1x125x64xf32, #tpu.memory_space<vmem>> -> memref<125x64xf32, #tpu.memory_space<vmem>>
        %dma_start3A_522 = arith.constant 0 : i32
        %dma_start3A_523 = tpu.memref_slice %arg9[%add3A_516, %dma_start3A_522] : memref<80x125xi32, #tpu.memory_space<vmem>> -> memref<1x125xi32, #tpu.memory_space<vmem>>
        %dma_start3A_524 = tpu.memref_squeeze %dma_start3A_523 : memref<1x125xi32, #tpu.memory_space<vmem>> -> memref<125xi32, #tpu.memory_space<vmem>>
        %dma_start3A_525 = arith.constant 0 : i32
        %dma_start3A_526 = arith.constant 0 : i32
        %dma_start3A_527 = tpu.memref_slice %arg2[%dma_start3A_525, %dma_start3A_526] : memref<20000x64xf32, #tpu.memory_space<hbm>> -> memref<20000x64xf32, #tpu.memory_space<hbm>>
        tpu.enqueue_indirect_dma source(%dma_start3A_527 : memref<20000x64xf32, #tpu.memory_space<hbm>>) target(%dma_start3A_521 : memref<125x64xf32, #tpu.memory_space<vmem>>) offsets(%dma_start3A_524 : memref<125xi32, #tpu.memory_space<vmem>>) semaphore(%arg19 : memref<!tpu.dma_semaphore, #tpu.memory_space<semaphore_mem>>)
      } else {
      }
      %mul3A_429 = arith.constant 8 : i32
      %mul3A_430 = arith.muli %mul3A_429, %scan3A_171 : i32
      %add3A_431 = arith.constant 6 : i32
      %add3A_432 = arith.addi %mul3A_430, %add3A_431 : i32
      %dma_wait3A_433 = arith.constant 6 : i32
      %dma_wait3A_434 = arith.constant 0 : i32
      %dma_wait3A_435 = arith.constant 0 : i32
      %dma_wait3A_436 = tpu.memref_slice %arg11[%dma_wait3A_433, %dma_wait3A_434, %dma_wait3A_435] : memref<8x125x64xf32, #tpu.memory_space<vmem>> -> memref<1x125x64xf32, #tpu.memory_space<vmem>>
      %dma_wait3A_437 = tpu.memref_squeeze %dma_wait3A_436 : memref<1x125x64xf32, #tpu.memory_space<vmem>> -> memref<125x64xf32, #tpu.memory_space<vmem>>
      %dma_wait3A_438 = arith.constant 0 : i32
      %dma_wait3A_439 = tpu.memref_slice %arg9[%add3A_432, %dma_wait3A_438] : memref<80x125xi32, #tpu.memory_space<vmem>> -> memref<1x125xi32, #tpu.memory_space<vmem>>
      %dma_wait3A_440 = tpu.memref_squeeze %dma_wait3A_439 : memref<1x125xi32, #tpu.memory_space<vmem>> -> memref<125xi32, #tpu.memory_space<vmem>>
      %dma_wait3A_441 = arith.constant 0 : i32
      %dma_wait3A_442 = arith.constant 0 : i32
      %dma_wait3A_443 = tpu.memref_slice %arg2[%dma_wait3A_441, %dma_wait3A_442] : memref<20000x64xf32, #tpu.memory_space<hbm>> -> memref<20000x64xf32, #tpu.memory_space<hbm>>
      tpu.wait_indirect_dma semaphore(%arg22 : memref<!tpu.dma_semaphore, #tpu.memory_space<semaphore_mem>>) src(%dma_wait3A_443 : memref<20000x64xf32, #tpu.memory_space<hbm>>) dst(%dma_wait3A_437 : memref<125x64xf32, #tpu.memory_space<vmem>>)
      %dma_start3A_444 = arith.constant 6 : i32
      %dma_start3A_445 = arith.constant 0 : i32
      %dma_start3A_446 = arith.constant 0 : i32
      %dma_start3A_447 = tpu.memref_slice %arg11[%dma_start3A_444, %dma_start3A_445, %dma_start3A_446] : memref<8x125x64xf32, #tpu.memory_space<vmem>> -> memref<1x125x64xf32, #tpu.memory_space<vmem>>
      %dma_start3A_448 = tpu.memref_squeeze %dma_start3A_447 : memref<1x125x64xf32, #tpu.memory_space<vmem>> -> memref<125x64xf32, #tpu.memory_space<vmem>>
      %dma_start3A_449 = arith.constant 0 : i32
      %dma_start3A_450 = tpu.memref_slice %arg10[%add3A_432, %dma_start3A_449] : memref<80x125xi32, #tpu.memory_space<vmem>> -> memref<1x125xi32, #tpu.memory_space<vmem>>
      %dma_start3A_451 = tpu.memref_squeeze %dma_start3A_450 : memref<1x125xi32, #tpu.memory_space<vmem>> -> memref<125xi32, #tpu.memory_space<vmem>>
      %dma_start3A_452 = arith.constant 0 : i32
      %dma_start3A_453 = arith.constant 0 : i32
      %dma_start3A_454 = tpu.memref_slice %arg14[%dma_start3A_452, %dma_start3A_453] : memref<10000x64xf32, #tpu.memory_space<vmem_shared>> -> memref<10000x64xf32, #tpu.memory_space<vmem_shared>>
      tpu.enqueue_indirect_dma source(%dma_start3A_448 : memref<125x64xf32, #tpu.memory_space<vmem>>) target(%dma_start3A_454 : memref<10000x64xf32, #tpu.memory_space<vmem_shared>>) offsets(%dma_start3A_451 : memref<125xi32, #tpu.memory_space<vmem>>) semaphore(%arg30 : memref<!tpu.dma_semaphore, #tpu.memory_space<semaphore_mem>>) {add = true}
      %dma_start3A_455 = arith.constant 0 : i32
      %dma_start3A_456 = tpu.memref_slice %arg12[%dma_start3A_455] : memref<128xf32, #tpu.memory_space<vmem>> -> memref<125xf32, #tpu.memory_space<vmem>>
      %dma_start3A_457 = arith.constant 0 : i32
      %dma_start3A_458 = tpu.memref_slice %arg10[%add3A_432, %dma_start3A_457] : memref<80x125xi32, #tpu.memory_space<vmem>> -> memref<1x125xi32, #tpu.memory_space<vmem>>
      %dma_start3A_459 = tpu.memref_squeeze %dma_start3A_458 : memref<1x125xi32, #tpu.memory_space<vmem>> -> memref<125xi32, #tpu.memory_space<vmem>>
      %dma_start3A_460 = arith.constant 0 : i32
      %dma_start3A_461 = tpu.memref_slice %arg15[%dma_start3A_460] : memref<10000xf32, #tpu.memory_space<vmem_shared>> -> memref<10000xf32, #tpu.memory_space<vmem_shared>>
      tpu.enqueue_indirect_dma source(%dma_start3A_456 : memref<125xf32, #tpu.memory_space<vmem>>) target(%dma_start3A_461 : memref<10000xf32, #tpu.memory_space<vmem_shared>>) offsets(%dma_start3A_459 : memref<125xi32, #tpu.memory_space<vmem>>) semaphore(%arg38 : memref<!tpu.dma_semaphore, #tpu.memory_space<semaphore_mem>>) {add = true}
      %ge3A_462 = arith.constant 2 : i32
      %ge3A_463 = arith.cmpi sge, %add3A_432, %ge3A_462 : i32
      %convert_element_type3A_464 = arith.extui %ge3A_463 : i1 to i32
      %cond3A_465 = arith.constant 0 : i32
      %cond3A_466 = arith.cmpi ne, %convert_element_type3A_464, %cond3A_465 : i32
      scf.if %cond3A_466 {
        %sub3A = arith.constant 2 : i32
        %sub3A_515 = arith.subi %add3A_432, %sub3A : i32
        %dma_wait3A_516 = arith.constant 4 : i32
        %dma_wait3A_517 = arith.constant 0 : i32
        %dma_wait3A_518 = arith.constant 0 : i32
        %dma_wait3A_519 = tpu.memref_slice %arg11[%dma_wait3A_516, %dma_wait3A_517, %dma_wait3A_518] : memref<8x125x64xf32, #tpu.memory_space<vmem>> -> memref<1x125x64xf32, #tpu.memory_space<vmem>>
        %dma_wait3A_520 = tpu.memref_squeeze %dma_wait3A_519 : memref<1x125x64xf32, #tpu.memory_space<vmem>> -> memref<125x64xf32, #tpu.memory_space<vmem>>
        %dma_wait3A_521 = arith.constant 0 : i32
        %dma_wait3A_522 = tpu.memref_slice %arg10[%sub3A_515, %dma_wait3A_521] : memref<80x125xi32, #tpu.memory_space<vmem>> -> memref<1x125xi32, #tpu.memory_space<vmem>>
        %dma_wait3A_523 = tpu.memref_squeeze %dma_wait3A_522 : memref<1x125xi32, #tpu.memory_space<vmem>> -> memref<125xi32, #tpu.memory_space<vmem>>
        %dma_wait3A_524 = arith.constant 0 : i32
        %dma_wait3A_525 = arith.constant 0 : i32
        %dma_wait3A_526 = tpu.memref_slice %arg14[%dma_wait3A_524, %dma_wait3A_525] : memref<10000x64xf32, #tpu.memory_space<vmem_shared>> -> memref<10000x64xf32, #tpu.memory_space<vmem_shared>>
        tpu.wait_indirect_dma semaphore(%arg28 : memref<!tpu.dma_semaphore, #tpu.memory_space<semaphore_mem>>) src(%dma_wait3A_520 : memref<125x64xf32, #tpu.memory_space<vmem>>) dst(%dma_wait3A_526 : memref<10000x64xf32, #tpu.memory_space<vmem_shared>>)
        %sub3A_527 = arith.constant 2 : i32
        %sub3A_528 = arith.subi %add3A_432, %sub3A_527 : i32
        %dma_wait3A_529 = arith.constant 0 : i32
        %dma_wait3A_530 = tpu.memref_slice %arg12[%dma_wait3A_529] : memref<128xf32, #tpu.memory_space<vmem>> -> memref<125xf32, #tpu.memory_space<vmem>>
        %dma_wait3A_531 = arith.constant 0 : i32
        %dma_wait3A_532 = tpu.memref_slice %arg10[%sub3A_528, %dma_wait3A_531] : memref<80x125xi32, #tpu.memory_space<vmem>> -> memref<1x125xi32, #tpu.memory_space<vmem>>
        %dma_wait3A_533 = tpu.memref_squeeze %dma_wait3A_532 : memref<1x125xi32, #tpu.memory_space<vmem>> -> memref<125xi32, #tpu.memory_space<vmem>>
        %dma_wait3A_534 = arith.constant 0 : i32
        %dma_wait3A_535 = tpu.memref_slice %arg15[%dma_wait3A_534] : memref<10000xf32, #tpu.memory_space<vmem_shared>> -> memref<10000xf32, #tpu.memory_space<vmem_shared>>
        tpu.wait_indirect_dma semaphore(%arg36 : memref<!tpu.dma_semaphore, #tpu.memory_space<semaphore_mem>>) src(%dma_wait3A_530 : memref<125xf32, #tpu.memory_space<vmem>>) dst(%dma_wait3A_535 : memref<10000xf32, #tpu.memory_space<vmem_shared>>)
      } else {
      }
      %lt3A_467 = arith.constant 74 : i32
      %lt3A_468 = arith.cmpi slt, %add3A_432, %lt3A_467 : i32
      %convert_element_type3A_469 = arith.extui %lt3A_468 : i1 to i32
      %cond3A_470 = arith.constant 0 : i32
      %cond3A_471 = arith.cmpi ne, %convert_element_type3A_469, %cond3A_470 : i32
      scf.if %cond3A_471 {
        %add3A_515 = arith.constant 6 : i32
        %add3A_516 = arith.addi %add3A_432, %add3A_515 : i32
        %dma_start3A_517 = arith.constant 4 : i32
        %dma_start3A_518 = arith.constant 0 : i32
        %dma_start3A_519 = arith.constant 0 : i32
        %dma_start3A_520 = tpu.memref_slice %arg11[%dma_start3A_517, %dma_start3A_518, %dma_start3A_519] : memref<8x125x64xf32, #tpu.memory_space<vmem>> -> memref<1x125x64xf32, #tpu.memory_space<vmem>>
        %dma_start3A_521 = tpu.memref_squeeze %dma_start3A_520 : memref<1x125x64xf32, #tpu.memory_space<vmem>> -> memref<125x64xf32, #tpu.memory_space<vmem>>
        %dma_start3A_522 = arith.constant 0 : i32
        %dma_start3A_523 = tpu.memref_slice %arg9[%add3A_516, %dma_start3A_522] : memref<80x125xi32, #tpu.memory_space<vmem>> -> memref<1x125xi32, #tpu.memory_space<vmem>>
        %dma_start3A_524 = tpu.memref_squeeze %dma_start3A_523 : memref<1x125xi32, #tpu.memory_space<vmem>> -> memref<125xi32, #tpu.memory_space<vmem>>
        %dma_start3A_525 = arith.constant 0 : i32
        %dma_start3A_526 = arith.constant 0 : i32
        %dma_start3A_527 = tpu.memref_slice %arg2[%dma_start3A_525, %dma_start3A_526] : memref<20000x64xf32, #tpu.memory_space<hbm>> -> memref<20000x64xf32, #tpu.memory_space<hbm>>
        tpu.enqueue_indirect_dma source(%dma_start3A_527 : memref<20000x64xf32, #tpu.memory_space<hbm>>) target(%dma_start3A_521 : memref<125x64xf32, #tpu.memory_space<vmem>>) offsets(%dma_start3A_524 : memref<125xi32, #tpu.memory_space<vmem>>) semaphore(%arg20 : memref<!tpu.dma_semaphore, #tpu.memory_space<semaphore_mem>>)
      } else {
      }
      %mul3A_472 = arith.constant 8 : i32
      %mul3A_473 = arith.muli %mul3A_472, %scan3A_171 : i32
      %add3A_474 = arith.constant 7 : i32
      %add3A_475 = arith.addi %mul3A_473, %add3A_474 : i32
      %dma_wait3A_476 = arith.constant 7 : i32
      %dma_wait3A_477 = arith.constant 0 : i32
      %dma_wait3A_478 = arith.constant 0 : i32
      %dma_wait3A_479 = tpu.memref_slice %arg11[%dma_wait3A_476, %dma_wait3A_477, %dma_wait3A_478] : memref<8x125x64xf32, #tpu.memory_space<vmem>> -> memref<1x125x64xf32, #tpu.memory_space<vmem>>
      %dma_wait3A_480 = tpu.memref_squeeze %dma_wait3A_479 : memref<1x125x64xf32, #tpu.memory_space<vmem>> -> memref<125x64xf32, #tpu.memory_space<vmem>>
      %dma_wait3A_481 = arith.constant 0 : i32
      %dma_wait3A_482 = tpu.memref_slice %arg9[%add3A_475, %dma_wait3A_481] : memref<80x125xi32, #tpu.memory_space<vmem>> -> memref<1x125xi32, #tpu.memory_space<vmem>>
      %dma_wait3A_483 = tpu.memref_squeeze %dma_wait3A_482 : memref<1x125xi32, #tpu.memory_space<vmem>> -> memref<125xi32, #tpu.memory_space<vmem>>
      %dma_wait3A_484 = arith.constant 0 : i32
      %dma_wait3A_485 = arith.constant 0 : i32
      %dma_wait3A_486 = tpu.memref_slice %arg2[%dma_wait3A_484, %dma_wait3A_485] : memref<20000x64xf32, #tpu.memory_space<hbm>> -> memref<20000x64xf32, #tpu.memory_space<hbm>>
      tpu.wait_indirect_dma semaphore(%arg23 : memref<!tpu.dma_semaphore, #tpu.memory_space<semaphore_mem>>) src(%dma_wait3A_486 : memref<20000x64xf32, #tpu.memory_space<hbm>>) dst(%dma_wait3A_480 : memref<125x64xf32, #tpu.memory_space<vmem>>)
      %dma_start3A_487 = arith.constant 7 : i32
      %dma_start3A_488 = arith.constant 0 : i32
      %dma_start3A_489 = arith.constant 0 : i32
      %dma_start3A_490 = tpu.memref_slice %arg11[%dma_start3A_487, %dma_start3A_488, %dma_start3A_489] : memref<8x125x64xf32, #tpu.memory_space<vmem>> -> memref<1x125x64xf32, #tpu.memory_space<vmem>>
      %dma_start3A_491 = tpu.memref_squeeze %dma_start3A_490 : memref<1x125x64xf32, #tpu.memory_space<vmem>> -> memref<125x64xf32, #tpu.memory_space<vmem>>
      %dma_start3A_492 = arith.constant 0 : i32
      %dma_start3A_493 = tpu.memref_slice %arg10[%add3A_475, %dma_start3A_492] : memref<80x125xi32, #tpu.memory_space<vmem>> -> memref<1x125xi32, #tpu.memory_space<vmem>>
      %dma_start3A_494 = tpu.memref_squeeze %dma_start3A_493 : memref<1x125xi32, #tpu.memory_space<vmem>> -> memref<125xi32, #tpu.memory_space<vmem>>
      %dma_start3A_495 = arith.constant 0 : i32
      %dma_start3A_496 = arith.constant 0 : i32
      %dma_start3A_497 = tpu.memref_slice %arg14[%dma_start3A_495, %dma_start3A_496] : memref<10000x64xf32, #tpu.memory_space<vmem_shared>> -> memref<10000x64xf32, #tpu.memory_space<vmem_shared>>
      tpu.enqueue_indirect_dma source(%dma_start3A_491 : memref<125x64xf32, #tpu.memory_space<vmem>>) target(%dma_start3A_497 : memref<10000x64xf32, #tpu.memory_space<vmem_shared>>) offsets(%dma_start3A_494 : memref<125xi32, #tpu.memory_space<vmem>>) semaphore(%arg31 : memref<!tpu.dma_semaphore, #tpu.memory_space<semaphore_mem>>) {add = true}
      %dma_start3A_498 = arith.constant 0 : i32
      %dma_start3A_499 = tpu.memref_slice %arg12[%dma_start3A_498] : memref<128xf32, #tpu.memory_space<vmem>> -> memref<125xf32, #tpu.memory_space<vmem>>
      %dma_start3A_500 = arith.constant 0 : i32
      %dma_start3A_501 = tpu.memref_slice %arg10[%add3A_475, %dma_start3A_500] : memref<80x125xi32, #tpu.memory_space<vmem>> -> memref<1x125xi32, #tpu.memory_space<vmem>>
      %dma_start3A_502 = tpu.memref_squeeze %dma_start3A_501 : memref<1x125xi32, #tpu.memory_space<vmem>> -> memref<125xi32, #tpu.memory_space<vmem>>
      %dma_start3A_503 = arith.constant 0 : i32
      %dma_start3A_504 = tpu.memref_slice %arg15[%dma_start3A_503] : memref<10000xf32, #tpu.memory_space<vmem_shared>> -> memref<10000xf32, #tpu.memory_space<vmem_shared>>
      tpu.enqueue_indirect_dma source(%dma_start3A_499 : memref<125xf32, #tpu.memory_space<vmem>>) target(%dma_start3A_504 : memref<10000xf32, #tpu.memory_space<vmem_shared>>) offsets(%dma_start3A_502 : memref<125xi32, #tpu.memory_space<vmem>>) semaphore(%arg39 : memref<!tpu.dma_semaphore, #tpu.memory_space<semaphore_mem>>) {add = true}
      %ge3A_505 = arith.constant 2 : i32
      %ge3A_506 = arith.cmpi sge, %add3A_475, %ge3A_505 : i32
      %convert_element_type3A_507 = arith.extui %ge3A_506 : i1 to i32
      %cond3A_508 = arith.constant 0 : i32
      %cond3A_509 = arith.cmpi ne, %convert_element_type3A_507, %cond3A_508 : i32
      scf.if %cond3A_509 {
        %sub3A = arith.constant 2 : i32
        %sub3A_515 = arith.subi %add3A_475, %sub3A : i32
        %dma_wait3A_516 = arith.constant 5 : i32
        %dma_wait3A_517 = arith.constant 0 : i32
        %dma_wait3A_518 = arith.constant 0 : i32
        %dma_wait3A_519 = tpu.memref_slice %arg11[%dma_wait3A_516, %dma_wait3A_517, %dma_wait3A_518] : memref<8x125x64xf32, #tpu.memory_space<vmem>> -> memref<1x125x64xf32, #tpu.memory_space<vmem>>
        %dma_wait3A_520 = tpu.memref_squeeze %dma_wait3A_519 : memref<1x125x64xf32, #tpu.memory_space<vmem>> -> memref<125x64xf32, #tpu.memory_space<vmem>>
        %dma_wait3A_521 = arith.constant 0 : i32
        %dma_wait3A_522 = tpu.memref_slice %arg10[%sub3A_515, %dma_wait3A_521] : memref<80x125xi32, #tpu.memory_space<vmem>> -> memref<1x125xi32, #tpu.memory_space<vmem>>
        %dma_wait3A_523 = tpu.memref_squeeze %dma_wait3A_522 : memref<1x125xi32, #tpu.memory_space<vmem>> -> memref<125xi32, #tpu.memory_space<vmem>>
        %dma_wait3A_524 = arith.constant 0 : i32
        %dma_wait3A_525 = arith.constant 0 : i32
        %dma_wait3A_526 = tpu.memref_slice %arg14[%dma_wait3A_524, %dma_wait3A_525] : memref<10000x64xf32, #tpu.memory_space<vmem_shared>> -> memref<10000x64xf32, #tpu.memory_space<vmem_shared>>
        tpu.wait_indirect_dma semaphore(%arg29 : memref<!tpu.dma_semaphore, #tpu.memory_space<semaphore_mem>>) src(%dma_wait3A_520 : memref<125x64xf32, #tpu.memory_space<vmem>>) dst(%dma_wait3A_526 : memref<10000x64xf32, #tpu.memory_space<vmem_shared>>)
        %sub3A_527 = arith.constant 2 : i32
        %sub3A_528 = arith.subi %add3A_475, %sub3A_527 : i32
        %dma_wait3A_529 = arith.constant 0 : i32
        %dma_wait3A_530 = tpu.memref_slice %arg12[%dma_wait3A_529] : memref<128xf32, #tpu.memory_space<vmem>> -> memref<125xf32, #tpu.memory_space<vmem>>
        %dma_wait3A_531 = arith.constant 0 : i32
        %dma_wait3A_532 = tpu.memref_slice %arg10[%sub3A_528, %dma_wait3A_531] : memref<80x125xi32, #tpu.memory_space<vmem>> -> memref<1x125xi32, #tpu.memory_space<vmem>>
        %dma_wait3A_533 = tpu.memref_squeeze %dma_wait3A_532 : memref<1x125xi32, #tpu.memory_space<vmem>> -> memref<125xi32, #tpu.memory_space<vmem>>
        %dma_wait3A_534 = arith.constant 0 : i32
        %dma_wait3A_535 = tpu.memref_slice %arg15[%dma_wait3A_534] : memref<10000xf32, #tpu.memory_space<vmem_shared>> -> memref<10000xf32, #tpu.memory_space<vmem_shared>>
        tpu.wait_indirect_dma semaphore(%arg37 : memref<!tpu.dma_semaphore, #tpu.memory_space<semaphore_mem>>) src(%dma_wait3A_530 : memref<125xf32, #tpu.memory_space<vmem>>) dst(%dma_wait3A_535 : memref<10000xf32, #tpu.memory_space<vmem_shared>>)
      } else {
      }
      %lt3A_510 = arith.constant 74 : i32
      %lt3A_511 = arith.cmpi slt, %add3A_475, %lt3A_510 : i32
      %convert_element_type3A_512 = arith.extui %lt3A_511 : i1 to i32
      %cond3A_513 = arith.constant 0 : i32
      %cond3A_514 = arith.cmpi ne, %convert_element_type3A_512, %cond3A_513 : i32
      scf.if %cond3A_514 {
        %add3A_515 = arith.constant 6 : i32
        %add3A_516 = arith.addi %add3A_475, %add3A_515 : i32
        %dma_start3A_517 = arith.constant 5 : i32
        %dma_start3A_518 = arith.constant 0 : i32
        %dma_start3A_519 = arith.constant 0 : i32
        %dma_start3A_520 = tpu.memref_slice %arg11[%dma_start3A_517, %dma_start3A_518, %dma_start3A_519] : memref<8x125x64xf32, #tpu.memory_space<vmem>> -> memref<1x125x64xf32, #tpu.memory_space<vmem>>
        %dma_start3A_521 = tpu.memref_squeeze %dma_start3A_520 : memref<1x125x64xf32, #tpu.memory_space<vmem>> -> memref<125x64xf32, #tpu.memory_space<vmem>>
        %dma_start3A_522 = arith.constant 0 : i32
        %dma_start3A_523 = tpu.memref_slice %arg9[%add3A_516, %dma_start3A_522] : memref<80x125xi32, #tpu.memory_space<vmem>> -> memref<1x125xi32, #tpu.memory_space<vmem>>
        %dma_start3A_524 = tpu.memref_squeeze %dma_start3A_523 : memref<1x125xi32, #tpu.memory_space<vmem>> -> memref<125xi32, #tpu.memory_space<vmem>>
        %dma_start3A_525 = arith.constant 0 : i32
        %dma_start3A_526 = arith.constant 0 : i32
        %dma_start3A_527 = tpu.memref_slice %arg2[%dma_start3A_525, %dma_start3A_526] : memref<20000x64xf32, #tpu.memory_space<hbm>> -> memref<20000x64xf32, #tpu.memory_space<hbm>>
        tpu.enqueue_indirect_dma source(%dma_start3A_527 : memref<20000x64xf32, #tpu.memory_space<hbm>>) target(%dma_start3A_521 : memref<125x64xf32, #tpu.memory_space<vmem>>) offsets(%dma_start3A_524 : memref<125xi32, #tpu.memory_space<vmem>>) semaphore(%arg21 : memref<!tpu.dma_semaphore, #tpu.memory_space<semaphore_mem>>)
      } else {
      }
    }
    %scan3A_125 = arith.constant 10 : i32
    %dma_wait3A = arith.constant 6 : i32
    %dma_wait3A_126 = arith.constant 78 : i32
    %dma_wait3A_127 = arith.constant 0 : i32
    %dma_wait3A_128 = arith.constant 0 : i32
    %dma_wait3A_129 = tpu.memref_slice %arg11[%dma_wait3A, %dma_wait3A_127, %dma_wait3A_128] : memref<8x125x64xf32, #tpu.memory_space<vmem>> -> memref<1x125x64xf32, #tpu.memory_space<vmem>>
    %dma_wait3A_130 = tpu.memref_squeeze %dma_wait3A_129 : memref<1x125x64xf32, #tpu.memory_space<vmem>> -> memref<125x64xf32, #tpu.memory_space<vmem>>
    %dma_wait3A_131 = arith.constant 0 : i32
    %dma_wait3A_132 = tpu.memref_slice %arg10[%dma_wait3A_126, %dma_wait3A_131] : memref<80x125xi32, #tpu.memory_space<vmem>> -> memref<1x125xi32, #tpu.memory_space<vmem>>
    %dma_wait3A_133 = tpu.memref_squeeze %dma_wait3A_132 : memref<1x125xi32, #tpu.memory_space<vmem>> -> memref<125xi32, #tpu.memory_space<vmem>>
    %dma_wait3A_134 = arith.constant 0 : i32
    %dma_wait3A_135 = arith.constant 0 : i32
    %dma_wait3A_136 = tpu.memref_slice %arg14[%dma_wait3A_134, %dma_wait3A_135] : memref<10000x64xf32, #tpu.memory_space<vmem_shared>> -> memref<10000x64xf32, #tpu.memory_space<vmem_shared>>
    tpu.wait_indirect_dma semaphore(%arg30 : memref<!tpu.dma_semaphore, #tpu.memory_space<semaphore_mem>>) src(%dma_wait3A_130 : memref<125x64xf32, #tpu.memory_space<vmem>>) dst(%dma_wait3A_136 : memref<10000x64xf32, #tpu.memory_space<vmem_shared>>)
    %dma_wait3A_137 = arith.constant 78 : i32
    %dma_wait3A_138 = arith.constant 0 : i32
    %dma_wait3A_139 = tpu.memref_slice %arg12[%dma_wait3A_138] : memref<128xf32, #tpu.memory_space<vmem>> -> memref<125xf32, #tpu.memory_space<vmem>>
    %dma_wait3A_140 = arith.constant 0 : i32
    %dma_wait3A_141 = tpu.memref_slice %arg10[%dma_wait3A_137, %dma_wait3A_140] : memref<80x125xi32, #tpu.memory_space<vmem>> -> memref<1x125xi32, #tpu.memory_space<vmem>>
    %dma_wait3A_142 = tpu.memref_squeeze %dma_wait3A_141 : memref<1x125xi32, #tpu.memory_space<vmem>> -> memref<125xi32, #tpu.memory_space<vmem>>
    %dma_wait3A_143 = arith.constant 0 : i32
    %dma_wait3A_144 = tpu.memref_slice %arg15[%dma_wait3A_143] : memref<10000xf32, #tpu.memory_space<vmem_shared>> -> memref<10000xf32, #tpu.memory_space<vmem_shared>>
    tpu.wait_indirect_dma semaphore(%arg38 : memref<!tpu.dma_semaphore, #tpu.memory_space<semaphore_mem>>) src(%dma_wait3A_139 : memref<125xf32, #tpu.memory_space<vmem>>) dst(%dma_wait3A_144 : memref<10000xf32, #tpu.memory_space<vmem_shared>>)
    %dma_wait3A_145 = arith.constant 7 : i32
    %dma_wait3A_146 = arith.constant 79 : i32
    %dma_wait3A_147 = arith.constant 0 : i32
    %dma_wait3A_148 = arith.constant 0 : i32
    %dma_wait3A_149 = tpu.memref_slice %arg11[%dma_wait3A_145, %dma_wait3A_147, %dma_wait3A_148] : memref<8x125x64xf32, #tpu.memory_space<vmem>> -> memref<1x125x64xf32, #tpu.memory_space<vmem>>
    %dma_wait3A_150 = tpu.memref_squeeze %dma_wait3A_149 : memref<1x125x64xf32, #tpu.memory_space<vmem>> -> memref<125x64xf32, #tpu.memory_space<vmem>>
    %dma_wait3A_151 = arith.constant 0 : i32
    %dma_wait3A_152 = tpu.memref_slice %arg10[%dma_wait3A_146, %dma_wait3A_151] : memref<80x125xi32, #tpu.memory_space<vmem>> -> memref<1x125xi32, #tpu.memory_space<vmem>>
    %dma_wait3A_153 = tpu.memref_squeeze %dma_wait3A_152 : memref<1x125xi32, #tpu.memory_space<vmem>> -> memref<125xi32, #tpu.memory_space<vmem>>
    %dma_wait3A_154 = arith.constant 0 : i32
    %dma_wait3A_155 = arith.constant 0 : i32
    %dma_wait3A_156 = tpu.memref_slice %arg14[%dma_wait3A_154, %dma_wait3A_155] : memref<10000x64xf32, #tpu.memory_space<vmem_shared>> -> memref<10000x64xf32, #tpu.memory_space<vmem_shared>>
    tpu.wait_indirect_dma semaphore(%arg31 : memref<!tpu.dma_semaphore, #tpu.memory_space<semaphore_mem>>) src(%dma_wait3A_150 : memref<125x64xf32, #tpu.memory_space<vmem>>) dst(%dma_wait3A_156 : memref<10000x64xf32, #tpu.memory_space<vmem_shared>>)
    %dma_wait3A_157 = arith.constant 79 : i32
    %dma_wait3A_158 = arith.constant 0 : i32
    %dma_wait3A_159 = tpu.memref_slice %arg12[%dma_wait3A_158] : memref<128xf32, #tpu.memory_space<vmem>> -> memref<125xf32, #tpu.memory_space<vmem>>
    %dma_wait3A_160 = arith.constant 0 : i32
    %dma_wait3A_161 = tpu.memref_slice %arg10[%dma_wait3A_157, %dma_wait3A_160] : memref<80x125xi32, #tpu.memory_space<vmem>> -> memref<1x125xi32, #tpu.memory_space<vmem>>
    %dma_wait3A_162 = tpu.memref_squeeze %dma_wait3A_161 : memref<1x125xi32, #tpu.memory_space<vmem>> -> memref<125xi32, #tpu.memory_space<vmem>>
    %dma_wait3A_163 = arith.constant 0 : i32
    %dma_wait3A_164 = tpu.memref_slice %arg15[%dma_wait3A_163] : memref<10000xf32, #tpu.memory_space<vmem_shared>> -> memref<10000xf32, #tpu.memory_space<vmem_shared>>
    tpu.wait_indirect_dma semaphore(%arg39 : memref<!tpu.dma_semaphore, #tpu.memory_space<semaphore_mem>>) src(%dma_wait3A_159 : memref<125xf32, #tpu.memory_space<vmem>>) dst(%dma_wait3A_164 : memref<10000xf32, #tpu.memory_space<vmem_shared>>)
    %barrier3A_165 = arith.constant 0 : index
    tpu.barrier barrier_id(%barrier3A_165)
    %lt3A_166 = arith.constant 10 : i32
    %lt3A_167 = arith.cmpi slt, %arg1, %lt3A_166 : i32
    %convert_element_type3A_168 = arith.extui %lt3A_167 : i1 to i32
    %cond3A_169 = arith.constant 0 : i32
    %cond3A_170 = arith.cmpi ne, %convert_element_type3A_168, %cond3A_169 : i32
    scf.if %cond3A_170 {
      %mul3A_171 = arith.constant 1000 : i32
      %mul3A_172 = arith.muli %arg1, %mul3A_171 : i32
      %mul3A_173 = arith.constant 1000 : i32
      %mul3A_174 = arith.muli %arg1, %mul3A_173 : i32
      %mul3A_175 = arith.constant 64 : i32
      %mul3A_176 = arith.muli %arg0, %mul3A_175 : i32
      "tpu.region"() ({
        %run_scoped3A_188 = tpu.sem_alloc : memref<!tpu.dma_semaphore, #tpu.memory_space<semaphore_mem>>
        %dma_start3A_189 = tpu.memref_slice %arg6[%mul3A_174, %mul3A_176] : memref<10000x128xf32, #tpu.memory_space<hbm>> -> memref<1000x64xf32, #tpu.memory_space<hbm>>
        %dma_start3A_190 = arith.constant 0 : i32
        %dma_start3A_191 = tpu.memref_slice %arg14[%mul3A_172, %dma_start3A_190] : memref<10000x64xf32, #tpu.memory_space<vmem_shared>> -> memref<1000x64xf32, #tpu.memory_space<vmem_shared>>
        tpu.enqueue_dma source(%dma_start3A_191 : memref<1000x64xf32, #tpu.memory_space<vmem_shared>>) target(%dma_start3A_189 : memref<1000x64xf32, #tpu.memory_space<hbm>>) target_semaphore(%run_scoped3A_188 : memref<!tpu.dma_semaphore, #tpu.memory_space<semaphore_mem>>)
        %dma_wait3A_192 = tpu.memref_slice %arg6[%mul3A_174, %mul3A_176] : memref<10000x128xf32, #tpu.memory_space<hbm>> -> memref<1000x64xf32, #tpu.memory_space<hbm>>
        %dma_wait3A_193 = arith.constant 0 : i32
        %dma_wait3A_194 = tpu.memref_slice %arg14[%mul3A_172, %dma_wait3A_193] : memref<10000x64xf32, #tpu.memory_space<vmem_shared>> -> memref<1000x64xf32, #tpu.memory_space<vmem_shared>>
        tpu.wait_dma2 semaphore(%run_scoped3A_188 : memref<!tpu.dma_semaphore, #tpu.memory_space<semaphore_mem>>) src(%dma_wait3A_194 : memref<1000x64xf32, #tpu.memory_space<vmem_shared>>) dst(%dma_wait3A_192 : memref<1000x64xf32, #tpu.memory_space<hbm>>)
        tpu.yield
      }) : () -> ()
      %mul3A_177 = arith.constant 1000 : i32
      %mul3A_178 = arith.muli %arg1, %mul3A_177 : i32
      "tpu.region"() ({
        %run_scoped3A_188 = tpu.sem_alloc : memref<!tpu.dma_semaphore, #tpu.memory_space<semaphore_mem>>
        %dma_start3A_189 = tpu.memref_slice %arg15[%mul3A_178] : memref<10000xf32, #tpu.memory_space<vmem_shared>> -> memref<1000xf32, #tpu.memory_space<vmem_shared>>
        %dma_start3A_190 = tpu.memref_slice %arg15[%mul3A_178] : memref<10000xf32, #tpu.memory_space<vmem_shared>> -> memref<1000xf32, #tpu.memory_space<vmem_shared>>
        tpu.enqueue_dma source(%dma_start3A_190 : memref<1000xf32, #tpu.memory_space<vmem_shared>>) target(%arg13 : memref<1000xf32, #tpu.memory_space<vmem>>) target_semaphore(%run_scoped3A_188 : memref<!tpu.dma_semaphore, #tpu.memory_space<semaphore_mem>>)
        %dma_wait3A_191 = tpu.memref_slice %arg15[%mul3A_178] : memref<10000xf32, #tpu.memory_space<vmem_shared>> -> memref<1000xf32, #tpu.memory_space<vmem_shared>>
        %dma_wait3A_192 = tpu.memref_slice %arg15[%mul3A_178] : memref<10000xf32, #tpu.memory_space<vmem_shared>> -> memref<1000xf32, #tpu.memory_space<vmem_shared>>
        tpu.wait_dma2 semaphore(%run_scoped3A_188 : memref<!tpu.dma_semaphore, #tpu.memory_space<semaphore_mem>>) src(%dma_wait3A_192 : memref<1000xf32, #tpu.memory_space<vmem_shared>>) dst(%arg13 : memref<1000xf32, #tpu.memory_space<vmem>>)
        tpu.yield
      }) : () -> ()
      %eq3A = arith.constant 0 : i32
      %eq3A_179 = arith.cmpi eq, %arg0, %eq3A : i32
      %convert_element_type3A_180 = arith.extui %eq3A_179 : i1 to i32
      %cond3A_181 = arith.constant 0 : i32
      %cond3A_182 = arith.cmpi ne, %convert_element_type3A_180, %cond3A_181 : i32
      scf.if %cond3A_182 {
        %mul3A_188 = arith.constant 1000 : i32
        %mul3A_189 = arith.muli %arg1, %mul3A_188 : i32
        "tpu.region"() ({
          %run_scoped3A_190 = tpu.sem_alloc : memref<!tpu.dma_semaphore, #tpu.memory_space<semaphore_mem>>
          %dma_start3A_191 = tpu.memref_slice %arg7[%mul3A_189] : memref<10000xf32, #tpu.memory_space<hbm>> -> memref<1000xf32, #tpu.memory_space<hbm>>
          %dma_start3A_192 = tpu.memref_slice %arg7[%mul3A_189] : memref<10000xf32, #tpu.memory_space<hbm>> -> memref<1000xf32, #tpu.memory_space<hbm>>
          tpu.enqueue_dma source(%arg13 : memref<1000xf32, #tpu.memory_space<vmem>>) target(%dma_start3A_192 : memref<1000xf32, #tpu.memory_space<hbm>>) target_semaphore(%run_scoped3A_190 : memref<!tpu.dma_semaphore, #tpu.memory_space<semaphore_mem>>)
          %dma_wait3A_193 = tpu.memref_slice %arg7[%mul3A_189] : memref<10000xf32, #tpu.memory_space<hbm>> -> memref<1000xf32, #tpu.memory_space<hbm>>
          %dma_wait3A_194 = tpu.memref_slice %arg7[%mul3A_189] : memref<10000xf32, #tpu.memory_space<hbm>> -> memref<1000xf32, #tpu.memory_space<hbm>>
          tpu.wait_dma2 semaphore(%run_scoped3A_190 : memref<!tpu.dma_semaphore, #tpu.memory_space<semaphore_mem>>) src(%arg13 : memref<1000xf32, #tpu.memory_space<vmem>>) dst(%dma_wait3A_194 : memref<1000xf32, #tpu.memory_space<hbm>>)
          tpu.yield
        }) : () -> ()
      } else {
      }
      %eq3A_183 = arith.constant 1 : i32
      %eq3A_184 = arith.cmpi eq, %arg0, %eq3A_183 : i32
      %convert_element_type3A_185 = arith.extui %eq3A_184 : i1 to i32
      %cond3A_186 = arith.constant 0 : i32
      %cond3A_187 = arith.cmpi ne, %convert_element_type3A_185, %cond3A_186 : i32
      scf.if %cond3A_187 {
        %mul3A_188 = arith.constant 1000 : i32
        %mul3A_189 = arith.muli %arg1, %mul3A_188 : i32
        "tpu.region"() ({
          %run_scoped3A_190 = tpu.sem_alloc : memref<!tpu.dma_semaphore, #tpu.memory_space<semaphore_mem>>
          %dma_start3A_191 = tpu.memref_slice %arg8[%mul3A_189] : memref<10000xf32, #tpu.memory_space<hbm>> -> memref<1000xf32, #tpu.memory_space<hbm>>
          %dma_start3A_192 = tpu.memref_slice %arg8[%mul3A_189] : memref<10000xf32, #tpu.memory_space<hbm>> -> memref<1000xf32, #tpu.memory_space<hbm>>
          tpu.enqueue_dma source(%arg13 : memref<1000xf32, #tpu.memory_space<vmem>>) target(%dma_start3A_192 : memref<1000xf32, #tpu.memory_space<hbm>>) target_semaphore(%run_scoped3A_190 : memref<!tpu.dma_semaphore, #tpu.memory_space<semaphore_mem>>)
          %dma_wait3A_193 = tpu.memref_slice %arg8[%mul3A_189] : memref<10000xf32, #tpu.memory_space<hbm>> -> memref<1000xf32, #tpu.memory_space<hbm>>
          %dma_wait3A_194 = tpu.memref_slice %arg8[%mul3A_189] : memref<10000xf32, #tpu.memory_space<hbm>> -> memref<1000xf32, #tpu.memory_space<hbm>>
          tpu.wait_dma2 semaphore(%run_scoped3A_190 : memref<!tpu.dma_semaphore, #tpu.memory_space<semaphore_mem>>) src(%arg13 : memref<1000xf32, #tpu.memory_space<vmem>>) dst(%dma_wait3A_194 : memref<1000xf32, #tpu.memory_space<hbm>>)
          tpu.yield
        }) : () -> ()
      } else {
      }
    } else {
    }
    return
  }
}

module attributes {stable_mosaic.version = 14 : i64} {
  func.func @_project_body(%arg0: i32, %arg1: memref<2000x128xf32, #tpu.memory_space<vmem>>, %arg2: memref<128x64xf32, #tpu.memory_space<vmem>>, %arg3: memref<128x64xf32, #tpu.memory_space<vmem>>, %arg4: memref<64xf32, #tpu.memory_space<vmem>>, %arg5: memref<2000x128xf32, #tpu.memory_space<vmem>>) attributes {dimension_semantics = [#tpu.dimension_semantics<arbitrary>], iteration_bounds = array<i64: 5>, scalar_prefetch = 0 : i64, scratch_operands = 0 : i64, tpu.core_type = #tpu.core_type<tc>, window_params = [{transform_indices = @transform_0, window_bounds = array<i64: 2000, 128>}, {pipeline_mode = #tpu.pipeline_mode<synchronous>, transform_indices = @transform_1, window_bounds = array<i64: 128, 64>}, {pipeline_mode = #tpu.pipeline_mode<synchronous>, transform_indices = @transform_2, window_bounds = array<i64: 128, 64>}, {pipeline_mode = #tpu.pipeline_mode<synchronous>, transform_indices = @transform_3, window_bounds = array<i64: 64>}, {transform_indices = @transform_4, window_bounds = array<i64: 2000, 128>}]} {
    %get3A = arith.constant 0 : index
    %get3A_0 = arith.constant 0 : index
    %get3A_1 = vector.load %arg1[%get3A, %get3A_0] : memref<2000x128xf32, #tpu.memory_space<vmem>>, vector<2000x128xf32>
    %get3A_2 = arith.constant 0 : index
    %get3A_3 = arith.constant 0 : index
    %get3A_4 = vector.load %arg2[%get3A_2, %get3A_3] : memref<128x64xf32, #tpu.memory_space<vmem>>, vector<128x64xf32>
    %dot_general3A = arith.constant dense<0.000000e+00> : vector<2000x64xf32>
    %dot_general3A_5 = tpu.matmul %get3A_1, %get3A_4, %dot_general3A {dimension_numbers = #tpu.dot_dimension_numbers<[1], [0], [0], [1], [0, 0, 1, 1], [], []>, transpose_lhs_hint = false} : vector<2000x128xf32>, vector<128x64xf32>, vector<2000x64xf32> -> vector<2000x64xf32>
    %get3A_6 = arith.constant 0 : index
    %get3A_7 = arith.constant 0 : index
    %get3A_8 = vector.load %arg3[%get3A_6, %get3A_7] : memref<128x64xf32, #tpu.memory_space<vmem>>, vector<128x64xf32>
    %dot_general3A_9 = arith.constant dense<0.000000e+00> : vector<2000x64xf32>
    %dot_general3A_10 = tpu.matmul %get3A_1, %get3A_8, %dot_general3A_9 {dimension_numbers = #tpu.dot_dimension_numbers<[1], [0], [0], [1], [0, 0, 1, 1], [], []>, transpose_lhs_hint = false} : vector<2000x128xf32>, vector<128x64xf32>, vector<2000x64xf32> -> vector<2000x64xf32>
    %get3A_11 = arith.constant 0 : index
    %get3A_12 = vector.load %arg4[%get3A_11] : memref<64xf32, #tpu.memory_space<vmem>>, vector<64xf32>
    %broadcast_in_dim3A = vector.shape_cast %get3A_12 : vector<64xf32> to vector<1x64xf32>
    %add3A = vector.broadcast %broadcast_in_dim3A : vector<1x64xf32> to vector<2000x64xf32>
    %add3A_13 = arith.addf %dot_general3A_10, %add3A : vector<2000x64xf32>
    %concatenate3A = tpu.concatenate %dot_general3A_5, %add3A_13 in 1 : vector<2000x64xf32>, vector<2000x64xf32> -> vector<2000x128xf32>
    %swap3A = arith.constant 0 : index
    %swap3A_14 = arith.constant 0 : index
    %swap3A_15 = vector.load %arg5[%swap3A, %swap3A_14] : memref<2000x128xf32, #tpu.memory_space<vmem>>, vector<2000x128xf32>
    tpu.vector_store %arg5[%swap3A, %swap3A_14], %concatenate3A {strides = array<i32>} : memref<2000x128xf32, #tpu.memory_space<vmem>>, vector<2000x128xf32>,
    return
  }
  func.func @transform_0(%arg0: i32) -> (i32, i32) {
    %c0_i32 = arith.constant 0 : i32
    %c0_i32_0 = arith.constant 0 : i32
    return %arg0, %c0_i32 : i32, i32
  }
  func.func @transform_1(%arg0: i32) -> (i32, i32) {
    %c0_i32 = arith.constant 0 : i32
    %c0_i32_0 = arith.constant 0 : i32
    %c0_i32_1 = arith.constant 0 : i32
    return %c0_i32, %c0_i32_0 : i32, i32
  }
  func.func @transform_2(%arg0: i32) -> (i32, i32) {
    %c0_i32 = arith.constant 0 : i32
    %c0_i32_0 = arith.constant 0 : i32
    %c0_i32_1 = arith.constant 0 : i32
    return %c0_i32, %c0_i32_0 : i32, i32
  }
  func.func @transform_3(%arg0: i32) -> i32 {
    %c0_i32 = arith.constant 0 : i32
    %c0_i32_0 = arith.constant 0 : i32
    return %c0_i32 : i32
  }
  func.func @transform_4(%arg0: i32) -> (i32, i32) {
    %c0_i32 = arith.constant 0 : i32
    %c0_i32_0 = arith.constant 0 : i32
    return %arg0, %c0_i32 : i32, i32
  }
}

module attributes {stable_mosaic.version = 14 : i64} {
  func.func @_head_body(%arg0: i32, %arg1: memref<2000x128xf32, #tpu.memory_space<vmem>>, %arg2: memref<2000x128xf32, #tpu.memory_space<vmem>>, %arg3: memref<5x2000xf32, #tpu.memory_space<vmem>>, %arg4: memref<5x2000xf32, #tpu.memory_space<vmem>>, %arg5: memref<64x2xf32, #tpu.memory_space<vmem>>, %arg6: memref<2xf32, #tpu.memory_space<vmem>>, %arg7: memref<2000x2xf32, #tpu.memory_space<vmem>>) attributes {dimension_semantics = [#tpu.dimension_semantics<arbitrary>], iteration_bounds = array<i64: 5>, scalar_prefetch = 0 : i64, scratch_operands = 0 : i64, tpu.core_type = #tpu.core_type<tc>, window_params = [{transform_indices = @transform_0, window_bounds = array<i64: 2000, 128>}, {transform_indices = @transform_1, window_bounds = array<i64: 2000, 128>}, {pipeline_mode = #tpu.pipeline_mode<synchronous>, transform_indices = @transform_2, window_bounds = array<i64: 5, 2000>}, {pipeline_mode = #tpu.pipeline_mode<synchronous>, transform_indices = @transform_3, window_bounds = array<i64: 5, 2000>}, {pipeline_mode = #tpu.pipeline_mode<synchronous>, transform_indices = @transform_4, window_bounds = array<i64: 64, 2>}, {pipeline_mode = #tpu.pipeline_mode<synchronous>, transform_indices = @transform_5, window_bounds = array<i64: 2>}, {transform_indices = @transform_6, window_bounds = array<i64: 2000, 2>}]} {
    %get3A = arith.constant 0 : index
    %get3A_0 = arith.constant 0 : index
    %get3A_1 = vector.load %arg1[%get3A, %get3A_0] : memref<2000x128xf32, #tpu.memory_space<vmem>>, vector<2000x64xf32>
    %get3A_2 = arith.constant 0 : index
    %get3A_3 = arith.constant 64 : index
    %get3A_4 = vector.load %arg1[%get3A_2, %get3A_3] : memref<2000x128xf32, #tpu.memory_space<vmem>>, vector<2000x64xf32>
    %add3A = arith.addf %get3A_1, %get3A_4 : vector<2000x64xf32>
    %get3A_5 = arith.index_cast %arg0 : i32 to index
    %get3A_6 = arith.constant 0 : index
    %get3A_7 = vector.load %arg3[%get3A_5, %get3A_6] : memref<5x2000xf32, #tpu.memory_space<vmem>>, vector<1x2000xf32>
    %get3A_8 = vector.shape_cast %get3A_7 : vector<1x2000xf32> to vector<2000xf32>
    %get3A_9 = arith.index_cast %arg0 : i32 to index
    %get3A_10 = arith.constant 0 : index
    %get3A_11 = vector.load %arg4[%get3A_9, %get3A_10] : memref<5x2000xf32, #tpu.memory_space<vmem>>, vector<1x2000xf32>
    %get3A_12 = vector.shape_cast %get3A_11 : vector<1x2000xf32> to vector<2000xf32>
    %add3A_13 = arith.addf %get3A_8, %get3A_12 : vector<2000xf32>
    %max3A = arith.constant 1.000000e+00 : f32
    %max3A_14 = vector.broadcast %max3A : f32 to vector<2000xf32>
    %max3A_15 = arith.maximumf %add3A_13, %max3A_14 : vector<2000xf32>
    %div3A = arith.constant 1.000000e+00 : f32
    %div3A_16 = vector.broadcast %div3A : f32 to vector<2000xf32>
    %div3A_17 = arith.divf %div3A_16, %max3A_15 : vector<2000xf32>
    %broadcast_in_dim3A = vector.shape_cast %div3A_17 : vector<2000xf32> to vector<2000x1xf32>
    %mul3A = vector.broadcast %broadcast_in_dim3A : vector<2000x1xf32> to vector<2000x64xf32>
    %mul3A_18 = arith.mulf %add3A, %mul3A : vector<2000x64xf32>
    %get3A_19 = arith.constant 0 : index
    %get3A_20 = arith.constant 64 : index
    %get3A_21 = vector.load %arg2[%get3A_19, %get3A_20] : memref<2000x128xf32, #tpu.memory_space<vmem>>, vector<2000x64xf32>
    %add3A_22 = arith.addf %mul3A_18, %get3A_21 : vector<2000x64xf32>
    %max3A_23 = arith.constant 0.000000e+00 : f32
    %max3A_24 = vector.broadcast %max3A_23 : f32 to vector<2000x64xf32>
    %max3A_25 = arith.maximumf %add3A_22, %max3A_24 : vector<2000x64xf32>
    %get3A_26 = arith.constant 0 : index
    %get3A_27 = arith.constant 0 : index
    %get3A_28 = vector.load %arg5[%get3A_26, %get3A_27] : memref<64x2xf32, #tpu.memory_space<vmem>>, vector<64x2xf32>
    %dot_general3A = arith.constant dense<0.000000e+00> : vector<2000x2xf32>
    %dot_general3A_29 = tpu.matmul %max3A_25, %get3A_28, %dot_general3A {dimension_numbers = #tpu.dot_dimension_numbers<[1], [0], [0], [1], [0, 0, 1, 1], [], []>, transpose_lhs_hint = false} : vector<2000x64xf32>, vector<64x2xf32>, vector<2000x2xf32> -> vector<2000x2xf32>
    %get3A_30 = arith.constant 0 : index
    %get3A_31 = vector.load %arg6[%get3A_30] : memref<2xf32, #tpu.memory_space<vmem>>, vector<2xf32>
    %broadcast_in_dim3A_32 = vector.shape_cast %get3A_31 : vector<2xf32> to vector<1x2xf32>
    %add3A_33 = vector.broadcast %broadcast_in_dim3A_32 : vector<1x2xf32> to vector<2000x2xf32>
    %add3A_34 = arith.addf %dot_general3A_29, %add3A_33 : vector<2000x2xf32>
    %swap3A = arith.constant 0 : index
    %swap3A_35 = arith.constant 0 : index
    %swap3A_36 = vector.load %arg7[%swap3A, %swap3A_35] : memref<2000x2xf32, #tpu.memory_space<vmem>>, vector<2000x2xf32>
    tpu.vector_store %arg7[%swap3A, %swap3A_35], %add3A_34 {strides = array<i32>} : memref<2000x2xf32, #tpu.memory_space<vmem>>, vector<2000x2xf32>,
    return
  }
  func.func @transform_0(%arg0: i32) -> (i32, i32) {
    %c0_i32 = arith.constant 0 : i32
    %c0_i32_0 = arith.constant 0 : i32
    return %arg0, %c0_i32 : i32, i32
  }
  func.func @transform_1(%arg0: i32) -> (i32, i32) {
    %c0_i32 = arith.constant 0 : i32
    %c0_i32_0 = arith.constant 0 : i32
    return %arg0, %c0_i32 : i32, i32
  }
  func.func @transform_2(%arg0: i32) -> (i32, i32) {
    %c0_i32 = arith.constant 0 : i32
    %c0_i32_0 = arith.constant 0 : i32
    %c0_i32_1 = arith.constant 0 : i32
    return %c0_i32, %c0_i32_0 : i32, i32
  }
  func.func @transform_3(%arg0: i32) -> (i32, i32) {
    %c0_i32 = arith.constant 0 : i32
    %c0_i32_0 = arith.constant 0 : i32
    %c0_i32_1 = arith.constant 0 : i32
    return %c0_i32, %c0_i32_0 : i32, i32
  }
  func.func @transform_4(%arg0: i32) -> (i32, i32) {
    %c0_i32 = arith.constant 0 : i32
    %c0_i32_0 = arith.constant 0 : i32
    %c0_i32_1 = arith.constant 0 : i32
    return %c0_i32, %c0_i32_0 : i32, i32
  }
  func.func @transform_5(%arg0: i32) -> i32 {
    %c0_i32 = arith.constant 0 : i32
    %c0_i32_0 = arith.constant 0 : i32
    return %c0_i32 : i32
  }
  func.func @transform_6(%arg0: i32) -> (i32, i32) {
    %c0_i32 = arith.constant 0 : i32
    %c0_i32_0 = arith.constant 0 : i32
    return %arg0, %c0_i32 : i32, i32
  }
}

</mosaic_0001>

<sc_bundles>
// kernel: kernel.5.cloned.1.call-start
scs
__scs_entry_jumppad:
0x0: {  	(pc) =	sbr.rel $0x88, $3  }
0x1: {  	(tag) =	ssettag $0x0;
	lr =	simm.s32 $0x1  }
0x2: {  	[smem:$0x3F9A] =	sst lr;
	_ =	strace $0xD0000000  }
0x3: {  	_ = 	snop  }
0x4: {  	_ = 	snop  }
0x5: {  	_ = 	snop  }
0x6: {  	_ = 	snop  }
0x7: {  	_ = 	snop  }
__scs_overlays_trampoline_lowered:
0x8: {  	[smem:$0x3FA9] =	sst s0  }
0x9: {  	[smem:$0x3FAA] =	sst s1  }
0xa: {  	[smem:$0x3FAB] =	sst s2  }
0xb: {  	[smem:$0x3FAC] =	sst s3  }
0xc: {  	[smem:$0x3FAD] =	sst s4  }
0xd: {  	[smem:$0x3FAE] =	sst s5  }
0xe: {  	[smem:$0x3FAF] =	sst s6  }
0xf: {  	[smem:$0x3FB0] =	sst s7  }
0x10: {  	[smem:$0x3FB1] =	sst s8  }
0x11: {  	[smem:$0x3FB2] =	sst s9;
	s0 =	simm.s32 @!p0 $0x0  }
0x12: {  	s1 =	sld [smem:$0x3F98];
	s0 =	simm.s32 @p0 $0x1  }
0x13: {  	[smem:$0x3FB3] =	sst s0;
	s0 =	simm.s32 @!p1 $0x0  }
0x14: {  	s2 =	sld [smem:$0x3F97];
	s0 =	simm.s32 @p1 $0x1  }
0x15: {  	[smem:$0x3FB4] =	sst s0;
	s0 =	simm.s32 @!p2 $0x0  }
0x16: {  	s3 =	sld [smem:$0x3FDB];
	s0 =	simm.s32 @p2 $0x1  }
0x17: {  	s4 =	simm.s32 $0x1BF5;
	[smem:$0x3FB6] =	sst s0  }
0x18: {  	s0 =	sld [smem:$0x3F99];
	_ =	swait.ge [sflag:s4], $0x0  }
0x19: {  	s7 =	sld [smem:$0x3F9A]  }
0x1a: {  	s8 =	sadd.s32 $0xFFFFE003, lr  }
0x1b: {  	s9 =	sadd.s32 $0xFFFFFEF7, lr;
	s5 =	simm.s32 $0xFFFFFFFF;
	p2 =	slt.u32 s8, $0xFFFFF086  }
0x1c: {  	p1 =	slt.u32 s9, $0xF7A;
	s5 =	simm.s32 @!p2 $0x0  }
0x1d: {  	s5 =	simm.s32 @p1 $0x1;
	p0 =	seq.s32 s7, s2  }
0x1e: {  	s7 =	smul.u32 @!p0 $0xF7A, s2;
	p2 =	seq.s32 @!p0 s5, $0x0  }
0x1f: {  	s9 =	smul.u32 $0xF7A, s1;
	s8 =	simm.s32 @!p0 $0x1BF5;
	p2 =	por !p2, p0  }
0x20: {  	[sflag:s8] =	ssyncset.s32 @!p0 $0xFFFFF086;
	s6 =	sadd.s32 @!p0 s3, s7;
	s7 =	simm.s32 @!p0 $0x108  }
0x21: {  	s3 =	sadd.s32 s3, s9;
	s6 =	sadd.s32 @!p0 $0x88, s6;
	s7 =	simm.s32 @p2 $0x1082  }
0x22: {  	[simem:s7], [sflag:s8] =	dma.local @!p0 [hbm:s6], $0xF7A  }
0x23: {  	s9 =	sor.u32 $0xD0000000, s2;
	s6 =	simm.s32 $0x108;
	_ =	swait.ge @!p0 [sflag:s8], $0x0  }
0x24: {  	s3 =	sadd.s32 $0x88, s3;
	s6 =	simm.s32 @!p1 $0x1082;
	[sflag:s4] =	ssyncset.s32 $0xFFFFF086  }
0x25: {  	[simem:s6], [sflag:s4] =	dma.local [hbm:s3], $0xF7A  }
0x26: {  	[smem:$0x3F9A] =	sst s1;
	(tag) =	ssettag s2;
	_ =	strace s9  }
0x27: {  	s1 =	sld [smem:$0x3FAA]  }
0x28: {  	s2 =	sld [smem:$0x3FAB]  }
0x29: {  	s4 =	sld [smem:$0x3FAD]  }
0x2a: {  	p0 =	seq.s32 s5, $0x0;
	s5 =	sld [smem:$0x3FAE]  }
0x2b: {  	s6 =	sld [smem:$0x3FAF]  }
0x2c: {  	s7 =	sld [smem:$0x3FB0]  }
0x2d: {  	s3 =	simm.s32 $0x108;
	s8 =	sld [smem:$0x3FB1]  }
0x2e: {  	s3 =	simm.s32 @!p0 $0x1082;
	s9 =	sld [smem:$0x3FB2]  }
0x2f: {  	lr =	sadd.s32 s0, s3;
	s0 =	sld [smem:$0x3FA9]  }
0x30: {  	s3 =	sld [smem:$0x3FAC]  }
0x31: {  	[smem:$0x3FB5] =	sst s10  }
0x32: {  	s10 =	sld [smem:$0x3FB3];
	_ =	sdelay $0x3  }
0x33: {  	p0 =	seq.s32 s10, $0x1;
	s10 =	sld [smem:$0x3FB5];
	_ =	sdelay $0x3  }
0x34: {  	[smem:$0x3FB5] =	sst s10  }
0x35: {  	s10 =	sld [smem:$0x3FB4];
	_ =	sdelay $0x3  }
0x36: {  	p1 =	seq.s32 s10, $0x1;
	s10 =	sld [smem:$0x3FB5];
	_ =	sdelay $0x3  }
0x37: {  	[smem:$0x3FB5] =	sst s10  }
0x38: {  	s10 =	sld [smem:$0x3FB6]  }
0x39: {  	_ = 	snop;
	(pc) =	sbr.ind lr, $3  }
0x3a: {  	_ = 	snop  }
0x3b: {  	_ = 	snop  }
0x3c: {  	p2 =	seq.s32 s10, $0x1;
	s10 =	sld [smem:$0x3FB5]  }
0x3d: {  	_ =	shalt  }
0x3e: {  	_ =	shalt  }
0x3f: {  	_ =	shalt  }
0x40: {  	_ =	shalt  }
0x41: {  	_ =	shalt  }
0x42: {  	_ =	shalt  }
0x43: {  	_ =	shalt  }
0x44: {  	_ =	shalt  }
0x45: {  	_ =	shalt  }
0x46: {  	_ =	shalt  }
0x47: {  	_ =	shalt  }
0x48: {  	_ =	shalt  }
0x49: {  	_ =	shalt  }
0x4a: {  	_ =	shalt  }
0x4b: {  	_ =	shalt  }
0x4c: {  	_ =	shalt  }
0x4d: {  	_ =	shalt  }
0x4e: {  	_ =	shalt  }
0x4f: {  	_ =	shalt  }
0x50: {  	_ =	shalt  }
0x51: {  	_ =	shalt  }
0x52: {  	_ =	shalt  }
0x53: {  	_ =	shalt  }
0x54: {  	_ =	shalt  }
0x55: {  	_ =	shalt  }
0x56: {  	_ =	shalt  }
0x57: {  	_ =	shalt  }
0x58: {  	_ =	shalt  }
0x59: {  	_ =	shalt  }
0x5a: {  	_ =	shalt  }
0x5b: {  	_ =	shalt  }
0x5c: {  	_ =	shalt  }
0x5d: {  	_ =	shalt  }
0x5e: {  	_ =	shalt  }
0x5f: {  	_ =	shalt  }
0x60: {  	_ =	shalt  }
0x61: {  	_ =	shalt  }
0x62: {  	_ =	shalt  }
0x63: {  	_ =	shalt  }
0x64: {  	_ =	shalt  }
0x65: {  	_ =	shalt  }
0x66: {  	_ =	shalt  }
0x67: {  	_ =	shalt  }
0x68: {  	_ =	shalt  }
0x69: {  	_ =	shalt  }
0x6a: {  	_ =	shalt  }
0x6b: {  	_ =	shalt  }
0x6c: {  	_ =	shalt  }
0x6d: {  	_ =	shalt  }
0x6e: {  	_ =	shalt  }
0x6f: {  	_ =	shalt  }
0x70: {  	_ =	shalt  }
0x71: {  	_ =	shalt  }
0x72: {  	_ =	shalt  }
0x73: {  	_ =	shalt  }
0x74: {  	_ =	shalt  }
0x75: {  	_ =	shalt  }
0x76: {  	_ =	shalt  }
0x77: {  	_ =	shalt  }
0x78: {  	_ =	shalt  }
0x79: {  	_ =	shalt  }
0x7a: {  	_ =	shalt  }
0x7b: {  	_ =	shalt  }
0x7c: {  	_ =	shalt  }
0x7d: {  	_ =	shalt  }
0x7e: {  	_ =	shalt  }
0x7f: {  	_ =	shalt  }
0x80: {  	_ =	shalt  }
0x81: {  	_ =	shalt  }
0x82: {  	_ =	shalt  }
0x83: {  	_ =	shalt  }
0x84: {  	_ =	shalt  }
0x85: {  	_ =	shalt  }
0x86: {  	_ =	shalt  }
0x87: {  	_ =	shalt  }
.Lfunc_end0:
.L_simem_size_0:
called_computation_lowered:
.L_overlay_start_0:
0x88: {  	s2 =	sld [smem:$0x3FD9]  }
0x89: {  	s3 =	sld [smem:$0x3FFE];
	_ =	sdelay $0x1  }
0x8a: {  	s1 =	srdreg.scid  }
0x8b: {  	s0 =	sand.u32 $0x1, s1  }
0x8c: {  	s17 =	sshll.u32 s0, $0xA;
	s2 =	sadd.s32 s3, s2  }
0x8d: {  	s2 =	sadd.s32 s2, s17  }
0x8e: {  	[smem:$0x3FC1] =	sst s2  }
0x8f: {  	_ = 	snop  }
0x90: {  	s2 =	sld [smem:$0x3FD0];
	(tm) =	ssettm $0x1  }
0x91: {  	s18 =	sld [smem:$0x3FFB];
	_ =	sdelay $0x3  }
0x92: {  	_ =	strace s18  }
0x93: {  	s3 =	sld [smem:$0x3FFC];
	_ =	sdelay $0x3  }
0x94: {  	_ =	strace s3  }
0x95: {  	s3 =	sld [smem:$0x3FFD];
	_ =	sdelay $0x3  }
0x96: {  	_ =	strace s3  }
0x97: {  	_ =	strace $0x8FFFFFFF  }
0x98: {  	s19 =	sld [smem:$0x3FDB];
	_ =	sdelay $0x1  }
0x99: {  	s4 =	simm.s32 $_scs_section_size  }
0x9a: {  	s5 =	simm.s32 $_size__tile_overlayer_lowered;
	s6 =	simm.s32 $_tile_overlayer_lowered  }
0x9b: {  	s22 =	simm.s32 $0x1BFF;
	s21 =	sshll.u32 s6, $0x1;
	s3 =	sadd.s32 s4, s19  }
0x9c: {  	s7 =	simm.s32 $0x0;
	s20 =	sshll.u32 s5, $0x1;
	s5 =	sadd.s32 s21, s3  }
0x9d: {  	[timem:s7], [sflag:s22] =	dma.local [hbm:s5], s20  }
0x9e: {  	_ =	swait.ge [sflag:s22], s20  }
0x9f: {  	s4 =	ssub.s32 $0x0, s20;
	[sflag:s22] =	ssyncset.done $0x0  }
0xa0: {  	[sflag:s22] =	ssyncadd.s32 s4;
	_ =	sdelay $0x1  }
0xa1: {  	s23 =	simm.s32 $0x1B8B  }
0xa2: {  	_ =	swait.ge [sflag:s23], $0x1  }
0xa3: {  	[sflag:s23] =	ssyncset.done $0x0  }
0xa4: {  	s25 =	simm.s32 $0x1B8E;
	s24 =	sld [smem:$0x3FFE];
	[sflag:s23] =	ssyncadd.s32 $0xFFFFFFFF  }
0xa5: {  	s26 =	simm.s32 $execute0_lowered;
	[smem:$0x3FD2] =	sst s25  }
0xa6: {  	s5 =	sshll.u32 s26, $0x1;
	_ =	strace $0x80000046;
	[dreg:$0x1] =	wrdreg $0xFFFFFFFF  }
0xa7: {  	s28 =	simm.s32 $_size_execute0_lowered;
	s3 =	sadd.s32 s3, s5;
	[dreg:$0x0] =	wrdreg $0x0  }
0xa8: {  	s5 =	sshll.u32 s28, $0x1;
	[dreg:$0x2] =	wrdreg s3  }
0xa9: {  	[dreg:$0x3] =	wrdreg s5  }
0xaa: {  	[dreg:$0x4] =	wrdreg $0xC0  }
0xab: {  	_ =	task [dreg:s7], $0x5FFFF  }
0xac: {  	[dreg:$0x1] =	wrdreg $0xFFFFFFFF  }
0xad: {  	[dreg:$0x0] =	wrdreg $0x60  }
0xae: {  	[dreg:$0x2] =	wrdreg s24  }
0xaf: {  	[dreg:$0x3] =	wrdreg s2  }
0xb0: {  	[dreg:$0x4] =	wrdreg $0x14E680  }
0xb1: {  	[dreg:$0x5] =	wrdreg $0x1EAA80  }
0xb2: {  	[dreg:$0x6] =	wrdreg $0x9  }
0xb3: {  	_ =	task.clear_ibuf [dreg:s7], $0x7FFFF;
	_ =	strace $0x90000046  }
0xb4: {  	s29 =	simm.s32 $0x9;
	_ =	strace $0x80000048  }
0xb5: {  	_ =	swait.ge [sflag:s29], $0x1  }
0xb6: {  	[sflag:s29] =	ssyncadd.s32 $0xFFFFFFFF  }
0xb7: {  	_ =	strace $0x90000048  }
0xb8: {  	_ =	sfence  }
0xb9: {  	s30 =	sld [smem:$0x0];
	_ =	sdelay $0x2  }
0xba: {  	s31 =	sshll.u32 s1, $0xD;
	s1 =	sshrl.u32 s1, $0x2  }
0xbb: {  	s3 =	sand.u32 $0x4000, s31;
	s1 =	sadd.s32 s1, s30  }
0xbc: {  	s0 =	sor.u32 s3, s0;
	s1 =	sshll.u32 s1, $0x11  }
0xbd: {  	s0 =	sor.u32 s1, s0  }
0xbe: {  	s0 =	sadd.s32 $0x8F2B, s0  }
0xbf: {  	[sflag:s0] =	ssyncadd.remote.s32 $0x1  }
0xc0: {  	_ =	sfence.sel $0xFFFF  }
0xc1: {  	[dreg:$0x0] =	wrdreg $0xFFFFFFFF;
	(pc) =	sbr.abs _section_cstart, $3  }
0xc2: {  	[dreg:$0x1] =	wrdreg $0xFFFFFFFF  }
0xc3: {  	_ =	task.clear_ibuf [dreg:s7], $0x2FFFF;
	_ =	strace $0x9FFFFFFF  }
0xc4: {  	(tm) =	ssettm $0x7FFFFFFF  }
0xc5: {  	_ =	shalt  }
tec
execute0_lowered:
.L_overlay_start_1:
0x0: {  	(tag) =	ssettag $0x1  }
0x1: {  	s0 =	rddreg [dreg:$0x0]  }
0x2: {  	s1 =	rddreg [dreg:$0x1]  }
0x3: {  	s2 =	rddreg [dreg:$0x2]  }
0x4: {  	s4 =	srdreg.scid;
	s12 =	stileid.u32  }
0x5: {  	s3 =	rddreg [dreg:$0x3];
	s6 =	simm.s32 $0x0;
	s31 =	simm.s32 $0x5000  }
0x6: {  	s30 =	simm.s32 $0x9;
	s13 =	simm.s32 $0x6;
	s15 =	simm.s32 $0x7  }
0x7: {  	s16 =	simm.s32 $0xD;
	s28 =	simm.s32 $0x12AC0;
	s7 =	smul.u32 $0x1F400, s12  }
0x8: {  	s4 =	sand.u32 $0x1, s4;
	s5 =	sshll.u32 s12, $0x1;
	s19 =	smul.u32 $0x3E800, s12  }
0x9: {  	[smem:$0x7FF] =	sst s6;
	s9 =	sadd.s32 $0x3D600, s0;
	s10 =	smul.u32 $0xFA0, s12  }
0xa: {  	s18 =	sadd.s32 $0x3D400, s0;
	s22 =	smul.u32 $0x3E8, s12;
	s5 =	sor.u32 s4, s5  }
0xb: {  	_ =	strace $0x80000047;
	s8 =	sshll.u32 s4, $0x6;
	[dreg:$0x5] =	wrdreg s9  }
0xc: {  	[dreg:$0x6] =	wrdreg s18;
	s20 =	ssub.s32 $0x2, s4;
	p0 =	seq.s32 s4, $0x1  }
0xd: {  	s17 =	smul.u32 $0x2800, s5;
	s5 =	sadd.s32 $0x16200, s0;
	s7 =	sor.u32 s8, s7  }
0xe: {  	s11 =	sshrl.u32 s20, $0x1;
	s8 =	sshrl.u32 s19, $0x2;
	s10 =	sshrl.u32 s10, $0x2  }
0xf: {  	s24 =	sadd.s32 s22, s3;
	s25 =	sshrl.u32 s22, $0x3;
	s19 =	simm.s32 $0x7D  }
0x10: {  	s22 =	simm.s32 $0xE;
	s7 =	sshrl.u32 s7, $0x3;
	s9 =	ssub.s32 s20, s11  }
0x11: {  	s8 =	sadd.s32 s8, s2;
	s10 =	sadd.s32 s10, s3;
	[dreg:$0xb] =	wrdreg s24  }
0x12: {  	s20 =	simm.s32 $0x8;
	s6 =	sshrl.u32 s17, $0x3;
	s7 =	sadd.s32 s7, s0  }
0x13: {  	[dreg:$0x7] =	wrdreg s10;
	s26 =	smax.u32 s9, $0x1;
	s9 =	simm.s32 $0x12  }
0x14: {  	s10 =	simm.s32 $0x5;
	s17 =	simm.s32 $0x15;
	s6 =	sadd.s32 s6, s0  }
0x15: {  	s0 =	sadd.s32 $0x3F600, s0;
	s23 =	sadd.s32 $0x3FC00, s7;
	[dreg:$0xc] =	wrdreg s26  }
0x16: {  	s21 =	sadd.s32 $0x2200, s6;
	s6 =	sadd.s32 $0xC200, s6;
	[dreg:$0xa] =	wrdreg s23  }
0x17: {  	s1 =	smov.u32 @p0 s0;
	p0 =	sgt.u32 s12, $0x9;
	[dreg:$0x8] =	wrdreg s21  }
0x18: {  	[dreg:$0x9] =	wrdreg s6;
	s4 =	sshll.u32 @!p0 s12, $0x6;
	s0 =	sadd.s32 s1, s25  }
0x19: {  	s29 =	sshrl.u32 @!p0 s8, $0x3;
	s12 =	simm.s32 $0x13;
	[dreg:$0xd] =	wrdreg s0  }
0x1a: {  	s25 =	simm.s32 $0x10B80;
	s26 =	sor.u32 @!p0 $0x1C19, s4;
	[dreg:$0xf] =	wrdreg s29  }
0x1b: {  	v0 =	vimm.f32 $1.000000000e+00;
	s0 =	simm.s32 $0x14A00;
	s4 =	simm.s32 $0x0;
	[dreg:$0xe] =	wrdreg s26  }
.LBB2_1:
0x1c: {  	[dreg:$0x10] =	wrdreg s4  }
0x1d: {  	s1 =	rddreg [dreg:$0x5];
	s18 =	simm.s32 @!p0 $0x19  }
0x1e: {  	[spmem:s29], [sflag:s26] =	dma.local @!p0 [hbm:s1], $0x1F40  }
0x1f: {  	_ =	swait.ge @!p0 [sflag:s18], $0x1F40  }
0x20: {  	s23 =	simm.s32 @!p0 $0x0;
	[sflag:s18] =	ssyncset.done @!p0 $0x0  }
0x21: {  	s24 =	simm.s32 @!p0 $0x14A80;
	s1 =	rddreg [dreg:$0x6];
	[sflag:s18] =	ssyncadd.s32 @!p0 $0xFFFFE0C0  }
0x22: {  	[tilespmem:s24], [sflag:$0x19] =	stream.linear.gather @!p0 [hbm4b:s1+s23], $0x3E8, $0x38;
	[tilespmem:$0x1ED20] =	vst v63  }
0x23: {  	_ =	swait.ge @!p0 [sflag:s18], $0x3E8  }
0x24: {  	[sflag:s18] =	ssyncset.done @!p0 $0x0  }
0x25: {  	s1 =	rddreg [dreg:$0x7];
	[sflag:s18] =	ssyncadd.s32 @!p0 $0xFFFFFC18  }
0x26: {  	[spmem:s1] =	stream.linear.scatter @!p0 [tilespmem:s24], [sflag:$0x19], $0x3E8, $0x38;
	[tilespmem:$0x1ED20] =	vst v63  }
0x27: {  	_ =	swait.ge @!p0 [sflag:s18], $0x3E8  }
0x28: {  	s4 =	simm.s32 $0x19;
	[sflag:s18] =	ssyncset.done @!p0 $0x0  }
0x29: {  	s26 =	simm.s32 $0x0;
	s29 =	rddreg [dreg:$0x8];
	[sflag:s18] =	ssyncadd.s32 @!p0 $0xFFFFFC18  }
0x2a: {  	[tilespmem:s26], [sflag:$0x19] =	stream.linear.gather [hbm4b:s29+s26], $0x2800, $0x38;
	[tilespmem:$0x1ED20] =	vst v63  }
0x2b: {  	_ =	swait.ge [sflag:s4], $0x2800  }
0x2c: {  	[sflag:s4] =	ssyncset.done $0x0  }
0x2d: {  	s7 =	simm.s32 $0x2800;
	s6 =	rddreg [dreg:$0x9];
	[sflag:s4] =	ssyncadd.s32 $0xFFFFD800  }
0x2e: {  	[tilespmem:s7], [sflag:$0x19] =	stream.linear.gather [hbm4b:s6+s26], $0x2800, $0x38;
	[tilespmem:$0x1ED20] =	vst v63  }
0x2f: {  	_ =	swait.ge [sflag:s4], $0x2800  }
0x30: {  	[sflag:s4] =	ssyncset.done $0x0  }
0x31: {  	[sflag:s4] =	ssyncadd.s32 $0xFFFFD800  }
0x32: {  	[tilespmem:$0x14A00] =	vst v0  }
0x33: {  	[tilespmem:$0x14A10] =	vst v0  }
0x34: {  	[tilespmem:$0x14A20] =	vst v0  }
0x35: {  	[tilespmem:$0x14A30] =	vst v0  }
0x36: {  	[tilespmem:$0x14A40] =	vst v0  }
0x37: {  	[tilespmem:$0x14A50] =	vst v0  }
0x38: {  	[tilespmem:$0x14A60] =	vst v0  }
0x39: {  	[tilespmem:$0x14A70] =	vst v0  }
0x3a: {  	[bflag:$0x0] =	sbarrier.arrive $0xFFFF  }
0x3b: {  	[tilespmem:s31], [sflag:$0x1] =	stream.indirect.gather [hbm4b:s5+s19], $0x40, s26, s19, $0xb8;
	[tilespmem:$0x1ED20] =	vst v63  }
0x3c: {  	s8 =	simm.s32 $0x80;
	s4 =	simm.s32 $0x6F40  }
0x3d: {  	[tilespmem:s4], [sflag:$0x2] =	stream.indirect.gather [hbm4b:s5+s19], $0x40, s8, s19, $0xb8;
	[tilespmem:$0x1ED20] =	vst v63  }
0x3e: {  	s11 =	simm.s32 $0x100;
	s6 =	simm.s32 $0x8E80  }
0x3f: {  	[tilespmem:s6], [sflag:$0x3] =	stream.indirect.gather [hbm4b:s5+s19], $0x40, s11, s19, $0xb8;
	[tilespmem:$0x1ED20] =	vst v63  }
0x40: {  	s14 =	simm.s32 $0x180;
	s8 =	simm.s32 $0xADC0  }
0x41: {  	[tilespmem:s8], [sflag:$0x4] =	stream.indirect.gather [hbm4b:s5+s19], $0x40, s14, s19, $0xb8;
	[tilespmem:$0x1ED20] =	vst v63  }
0x42: {  	s18 =	simm.s32 $0x200;
	s11 =	simm.s32 $0xCD00  }
0x43: {  	[tilespmem:s11], [sflag:$0x5] =	stream.indirect.gather [hbm4b:s5+s19], $0x40, s18, s19, $0xb8;
	[tilespmem:$0x1ED20] =	vst v63  }
0x44: {  	s21 =	simm.s32 $0x280;
	s23 =	simm.s32 $0x1;
	s14 =	simm.s32 $0xEC40  }
0x45: {  	[tilespmem:s14], [sflag:$0x6] =	stream.indirect.gather [hbm4b:s5+s19], $0x40, s21, s19, $0xb8;
	[tilespmem:$0x1ED20] =	vst v63  }
0x46: {  	_ =	swait.ge [sflag:s23], $0x1F40  }
0x47: {  	[sflag:s23] =	ssyncset.done $0x0  }
0x48: {  	p1 =	por $0x1, $0x1;
	s24 =	simm.s32 $0x2800;
	[sflag:s23] =	ssyncadd.s32 $0xFFFFE0C0  }
0x49: {  	[spmem:s2] =	stream.indirect.scatter.add.f32 [tilespmem:s31], [sflag:$0x9], $0x40, s24, s19, $0xb8;
	[tilespmem:$0x1ED20] =	vst v63  }
0x4a: {  	s18 =	simm.s32 @!p1 $0xF  }
0x4b: {  	[spmem:s3] =	stream.indirect.scatter.add.f32 [tilespmem:s0], [sflag:$0x11], $0x1, s24, s19, $0xb8;
	[tilespmem:$0x1ED20] =	vst v63  }
0x4c: {  	_ =	swait.ge @!p1 [sflag:s18], $0x1F40  }
0x4d: {  	[sflag:s18] =	ssyncset.done @!p1 $0x0  }
0x4e: {  	s23 =	simm.s32 @!p1 $0x17;
	[sflag:s18] =	ssyncadd.s32 @!p1 $0xFFFFE0C0  }
0x4f: {  	_ =	swait.ge @!p1 [sflag:s23], $0x7D  }
0x50: {  	s1 =	simm.s32 $0x10B80;
	[sflag:s23] =	ssyncset.done @!p1 $0x0  }
0x51: {  	s7 =	simm.s32 $0x2;
	s26 =	simm.s32 $0x300;
	[sflag:s23] =	ssyncadd.s32 @!p1 $0xFFFFFF83  }
0x52: {  	[tilespmem:s1], [sflag:$0x7] =	stream.indirect.gather [hbm4b:s5+s19], $0x40, s26, s19, $0xb8;
	[tilespmem:$0x1ED20] =	vst v63  }
0x53: {  	_ =	swait.ge [sflag:s7], $0x1F40  }
0x54: {  	[sflag:s7] =	ssyncset.done $0x0  }
0x55: {  	s29 =	simm.s32 $0x2880;
	[sflag:s7] =	ssyncadd.s32 $0xFFFFE0C0  }
0x56: {  	[spmem:s2] =	stream.indirect.scatter.add.f32 [tilespmem:s4], [sflag:$0xA], $0x40, s29, s19, $0xb8;
	[tilespmem:$0x1ED20] =	vst v63  }
0x57: {  	s23 =	simm.s32 @!p1 $0x10  }
0x58: {  	[spmem:s3] =	stream.indirect.scatter.add.f32 [tilespmem:s0], [sflag:$0x12], $0x1, s29, s19, $0xb8;
	[tilespmem:$0x1ED20] =	vst v63  }
0x59: {  	_ =	swait.ge @!p1 [sflag:s23], $0x1F40  }
0x5a: {  	[sflag:s23] =	ssyncset.done @!p1 $0x0  }
0x5b: {  	s18 =	simm.s32 @!p1 $0x18;
	[sflag:s23] =	ssyncadd.s32 @!p1 $0xFFFFE0C0  }
0x5c: {  	_ =	swait.ge @!p1 [sflag:s18], $0x7D  }
0x5d: {  	s21 =	simm.s32 $0x12AC0;
	[sflag:s18] =	ssyncset.done @!p1 $0x0  }
0x5e: {  	s24 =	simm.s32 $0x3;
	s7 =	simm.s32 $0x380;
	[sflag:s18] =	ssyncadd.s32 @!p1 $0xFFFFFF83  }
0x5f: {  	[tilespmem:s21], [sflag:$0x8] =	stream.indirect.gather [hbm4b:s5+s19], $0x40, s7, s19, $0xb8;
	[tilespmem:$0x1ED20] =	vst v63  }
0x60: {  	_ =	swait.ge [sflag:s24], $0x1F40  }
0x61: {  	[sflag:s24] =	ssyncset.done $0x0  }
0x62: {  	s26 =	simm.s32 $0x2900;
	[sflag:s24] =	ssyncadd.s32 $0xFFFFE0C0  }
0x63: {  	[spmem:s2] =	stream.indirect.scatter.add.f32 [tilespmem:s6], [sflag:$0xB], $0x40, s26, s19, $0xb8;
	[tilespmem:$0x1ED20] =	vst v63  }
0x64: {  	_ = 	snop  }
0x65: {  	[spmem:s3] =	stream.indirect.scatter.add.f32 [tilespmem:s0], [sflag:$0x13], $0x1, s26, s19, $0xb8;
	[tilespmem:$0x1ED20] =	vst v63  }
0x66: {  	_ =	swait.ge [sflag:s30], $0x1F40  }
0x67: {  	[sflag:s30] =	ssyncset.done $0x0  }
0x68: {  	s6 =	simm.s32 $0x11;
	[sflag:s30] =	ssyncadd.s32 $0xFFFFE0C0  }
0x69: {  	p1 =	por $0x0, $0x0;
	_ =	swait.ge [sflag:s6], $0x7D  }
0x6a: {  	s18 =	simm.s32 @!p1 $0x5000;
	s23 =	simm.s32 @!p1 $0x400;
	[sflag:s6] =	ssyncset.done $0x0  }
0x6b: {  	s7 =	simm.s32 $0x4;
	s24 =	simm.s32 @!p1 $0x7D;
	[sflag:s6] =	ssyncadd.s32 $0xFFFFFF83  }
0x6c: {  	[tilespmem:s18], [sflag:$0x1] =	stream.indirect.gather @!p1 [hbm4b:s5+s24], $0x40, s23, s24, $0xb8;
	[tilespmem:$0x1ED20] =	vst v63  }
0x6d: {  	_ =	swait.ge [sflag:s7], $0x1F40  }
0x6e: {  	[sflag:s7] =	ssyncset.done $0x0  }
0x6f: {  	s29 =	simm.s32 $0x2980;
	[sflag:s7] =	ssyncadd.s32 $0xFFFFE0C0  }
0x70: {  	[spmem:s2] =	stream.indirect.scatter.add.f32 [tilespmem:s8], [sflag:$0xC], $0x40, s29, s19, $0xb8;
	[tilespmem:$0x1ED20] =	vst v63  }
0x71: {  	s8 =	simm.s32 $0xA  }
0x72: {  	[spmem:s3] =	stream.indirect.scatter.add.f32 [tilespmem:s0], [sflag:$0x14], $0x1, s29, s19, $0xb8;
	[tilespmem:$0x1ED20] =	vst v63  }
0x73: {  	_ =	swait.ge [sflag:s8], $0x1F40  }
0x74: {  	[sflag:s8] =	ssyncset.done $0x0  }
0x75: {  	[sflag:s8] =	ssyncadd.s32 $0xFFFFE0C0  }
0x76: {  	p1 =	por $0x0, $0x0;
	_ =	swait.ge [sflag:s9], $0x7D  }
0x77: {  	s18 =	simm.s32 @!p1 $0x6F40;
	[sflag:s9] =	ssyncset.done $0x0  }
0x78: {  	s23 =	simm.s32 @!p1 $0x480;
	s24 =	simm.s32 @!p1 $0x7D;
	[sflag:s9] =	ssyncadd.s32 $0xFFFFFF83  }
0x79: {  	[tilespmem:s18], [sflag:$0x2] =	stream.indirect.gather @!p1 [hbm4b:s5+s24], $0x40, s23, s24, $0xb8;
	[tilespmem:$0x1ED20] =	vst v63  }
0x7a: {  	_ =	swait.ge [sflag:s10], $0x1F40  }
0x7b: {  	[sflag:s10] =	ssyncset.done $0x0  }
0x7c: {  	s4 =	simm.s32 $0x2A00;
	[sflag:s10] =	ssyncadd.s32 $0xFFFFE0C0  }
0x7d: {  	[spmem:s2] =	stream.indirect.scatter.add.f32 [tilespmem:s11], [sflag:$0xD], $0x40, s4, s19, $0xb8;
	[tilespmem:$0x1ED20] =	vst v63  }
0x7e: {  	s11 =	simm.s32 $0xB  }
0x7f: {  	[spmem:s3] =	stream.indirect.scatter.add.f32 [tilespmem:s0], [sflag:$0x15], $0x1, s4, s19, $0xb8;
	[tilespmem:$0x1ED20] =	vst v63  }
0x80: {  	_ =	swait.ge [sflag:s11], $0x1F40  }
0x81: {  	[sflag:s11] =	ssyncset.done $0x0  }
0x82: {  	[sflag:s11] =	ssyncadd.s32 $0xFFFFE0C0  }
0x83: {  	p1 =	por $0x0, $0x0;
	_ =	swait.ge [sflag:s12], $0x7D  }
0x84: {  	s18 =	simm.s32 @!p1 $0x8E80;
	[sflag:s12] =	ssyncset.done $0x0  }
0x85: {  	s23 =	simm.s32 @!p1 $0x500;
	s24 =	simm.s32 @!p1 $0x7D;
	[sflag:s12] =	ssyncadd.s32 $0xFFFFFF83  }
0x86: {  	[tilespmem:s18], [sflag:$0x3] =	stream.indirect.gather @!p1 [hbm4b:s5+s24], $0x40, s23, s24, $0xb8;
	[tilespmem:$0x1ED20] =	vst v63  }
0x87: {  	_ =	swait.ge [sflag:s13], $0x1F40  }
0x88: {  	[sflag:s13] =	ssyncset.done $0x0  }
0x89: {  	s23 =	simm.s32 $0x2A80;
	[sflag:s13] =	ssyncadd.s32 $0xFFFFE0C0  }
0x8a: {  	[spmem:s2] =	stream.indirect.scatter.add.f32 [tilespmem:s14], [sflag:$0xE], $0x40, s23, s19, $0xb8;
	[tilespmem:$0x1ED20] =	vst v63  }
0x8b: {  	s14 =	simm.s32 $0xC  }
0x8c: {  	[spmem:s3] =	stream.indirect.scatter.add.f32 [tilespmem:s0], [sflag:$0x16], $0x1, s23, s19, $0xb8;
	[tilespmem:$0x1ED20] =	vst v63  }
0x8d: {  	_ =	swait.ge [sflag:s14], $0x1F40  }
0x8e: {  	[sflag:s14] =	ssyncset.done $0x0  }
0x8f: {  	s4 =	simm.s32 $0x14;
	[sflag:s14] =	ssyncadd.s32 $0xFFFFE0C0  }
0x90: {  	p1 =	por $0x0, $0x0;
	_ =	swait.ge [sflag:s4], $0x7D  }
0x91: {  	s18 =	simm.s32 @!p1 $0xADC0;
	[sflag:s4] =	ssyncset.done $0x0  }
0x92: {  	s24 =	simm.s32 @!p1 $0x7D;
	s23 =	simm.s32 @!p1 $0x580;
	[sflag:s4] =	ssyncadd.s32 $0xFFFFFF83  }
0x93: {  	[tilespmem:s18], [sflag:$0x4] =	stream.indirect.gather @!p1 [hbm4b:s5+s24], $0x40, s23, s24, $0xb8;
	[tilespmem:$0x1ED20] =	vst v63  }
0x94: {  	_ =	swait.ge [sflag:s15], $0x1F40  }
0x95: {  	[sflag:s15] =	ssyncset.done $0x0  }
0x96: {  	s24 =	simm.s32 $0x2B00;
	[sflag:s15] =	ssyncadd.s32 $0xFFFFE0C0  }
0x97: {  	[spmem:s2] =	stream.indirect.scatter.add.f32 [tilespmem:s1], [sflag:$0xF], $0x40, s24, s19, $0xb8;
	[tilespmem:$0x1ED20] =	vst v63  }
0x98: {  	_ = 	snop  }
0x99: {  	[spmem:s3] =	stream.indirect.scatter.add.f32 [tilespmem:s0], [sflag:$0x17], $0x1, s24, s19, $0xb8;
	[tilespmem:$0x1ED20] =	vst v63  }
0x9a: {  	_ =	swait.ge [sflag:s16], $0x1F40  }
0x9b: {  	[sflag:s16] =	ssyncset.done $0x0  }
0x9c: {  	[sflag:s16] =	ssyncadd.s32 $0xFFFFE0C0  }
0x9d: {  	p1 =	por $0x0, $0x0;
	_ =	swait.ge [sflag:s17], $0x7D  }
0x9e: {  	s18 =	simm.s32 @!p1 $0xCD00;
	[sflag:s17] =	ssyncset.done $0x0  }
0x9f: {  	s23 =	simm.s32 @!p1 $0x600;
	s24 =	simm.s32 @!p1 $0x7D;
	[sflag:s17] =	ssyncadd.s32 $0xFFFFFF83  }
0xa0: {  	[tilespmem:s18], [sflag:$0x5] =	stream.indirect.gather @!p1 [hbm4b:s5+s24], $0x40, s23, s24, $0xb8;
	[tilespmem:$0x1ED20] =	vst v63  }
0xa1: {  	_ =	swait.ge [sflag:s20], $0x1F40  }
0xa2: {  	[sflag:s20] =	ssyncset.done $0x0  }
0xa3: {  	s26 =	simm.s32 $0x2B80;
	[sflag:s20] =	ssyncadd.s32 $0xFFFFE0C0  }
0xa4: {  	[spmem:s2] =	stream.indirect.scatter.add.f32 [tilespmem:s21], [sflag:$0x10], $0x40, s26, s19, $0xb8;
	[tilespmem:$0x1ED20] =	vst v63  }
0xa5: {  	_ = 	snop  }
0xa6: {  	[spmem:s3] =	stream.indirect.scatter.add.f32 [tilespmem:s0], [sflag:$0x18], $0x1, s26, s19, $0xb8;
	[tilespmem:$0x1ED20] =	vst v63  }
0xa7: {  	_ =	swait.ge [sflag:s22], $0x1F40  }
0xa8: {  	p2 =	por $0x0, $0x0;
	[sflag:s22] =	ssyncset.done $0x0  }
0xa9: {  	s31 =	simm.s32 @!p2 $0xEC40;
	s29 =	simm.s32 $0x16;
	[sflag:s22] =	ssyncadd.s32 $0xFFFFE0C0  }
0xaa: {  	s24 =	simm.s32 $0x1000;
	s18 =	simm.s32 @!p2 $0x680;
	_ =	swait.ge [sflag:s29], $0x7D  }
0xab: {  	s23 =	simm.s32 @!p2 $0x7D;
	s26 =	simm.s32 $0x7;
	[sflag:s29] =	ssyncset.done $0x0  }
.LBB2_2:
0xac: {  	s21 =	simm.s32 $0x16;
	s26 =	sadd.s32 $0x8, s26;
	s29 =	smov.u32 s24  }
0xad: {  	s24 =	sadd.s32 $0x1000, s24;
	s1 =	simm.s32 $0x1;
	[sflag:s21] =	ssyncadd.s32 $0xFFFFFF83  }
0xae: {  	[tilespmem:s31], [sflag:$0x6] =	stream.indirect.gather @!p2 [hbm4b:s5+s23], $0x40, s18, s23, $0xb8;
	[tilespmem:$0x1ED20] =	vst v63  }
0xaf: {  	p1 =	sne.s32 s24, $0xA000;
	_ =	swait.ge [sflag:s1], $0x1F40  }
0xb0: {  	s31 =	sshra.s32 s29, $0x2;
	[sflag:s1] =	ssyncset.done $0x0  }
0xb1: {  	s18 =	sadd.s32 $0x2800, s31;
	[sflag:s1] =	ssyncadd.s32 $0xFFFFE0C0;
	s1 =	simm.s32 $0x5000  }
0xb2: {  	[spmem:s2] =	stream.indirect.scatter.add.f32 [tilespmem:s1], [sflag:$0x9], $0x40, s18, s19, $0xb8;
	[tilespmem:$0x1ED20] =	vst v63  }
0xb3: {  	p2 =	seq.s32 s29, $0x0  }
0xb4: {  	[spmem:s3] =	stream.indirect.scatter.add.f32 [tilespmem:s0], [sflag:$0x11], $0x1, s18, s19, $0xb8;
	[tilespmem:$0x1ED20] =	vst v63  }
0xb5: {  	s18 =	simm.s32 @!p2 $0xF  }
0xb6: {  	_ =	swait.ge @!p2 [sflag:s18], $0x1F40  }
0xb7: {  	s23 =	simm.s32 @!p2 $0x17;
	[sflag:s18] =	ssyncset.done @!p2 $0x0  }
0xb8: {  	[sflag:s18] =	ssyncadd.s32 @!p2 $0xFFFFE0C0  }
0xb9: {  	_ =	swait.ge @!p2 [sflag:s23], $0x7D  }
0xba: {  	s18 =	sadd.s32 $0x300, s31;
	[sflag:s23] =	ssyncset.done @!p2 $0x0  }
0xbb: {  	s1 =	simm.s32 $0x2;
	[sflag:s23] =	ssyncadd.s32 @!p2 $0xFFFFFF83  }
0xbc: {  	[tilespmem:s25], [sflag:$0x7] =	stream.indirect.gather [hbm4b:s5+s19], $0x40, s18, s19, $0xb8;
	[tilespmem:$0x1ED20] =	vst v63  }
0xbd: {  	_ =	swait.ge [sflag:s1], $0x1F40  }
0xbe: {  	s18 =	sadd.s32 $0x2880, s31;
	[sflag:s1] =	ssyncset.done $0x0  }
0xbf: {  	[sflag:s1] =	ssyncadd.s32 $0xFFFFE0C0;
	s1 =	simm.s32 $0x6F40  }
0xc0: {  	[spmem:s2] =	stream.indirect.scatter.add.f32 [tilespmem:s1], [sflag:$0xA], $0x40, s18, s19, $0xb8;
	[tilespmem:$0x1ED20] =	vst v63  }
0xc1: {  	s23 =	simm.s32 @!p2 $0x10  }
0xc2: {  	[spmem:s3] =	stream.indirect.scatter.add.f32 [tilespmem:s0], [sflag:$0x12], $0x1, s18, s19, $0xb8;
	[tilespmem:$0x1ED20] =	vst v63  }
0xc3: {  	_ =	swait.ge @!p2 [sflag:s23], $0x1F40  }
0xc4: {  	s18 =	simm.s32 @!p2 $0x18;
	[sflag:s23] =	ssyncset.done @!p2 $0x0  }
0xc5: {  	[sflag:s23] =	ssyncadd.s32 @!p2 $0xFFFFE0C0  }
0xc6: {  	_ =	swait.ge @!p2 [sflag:s18], $0x7D  }
0xc7: {  	s23 =	sadd.s32 $0x380, s31;
	[sflag:s18] =	ssyncset.done @!p2 $0x0  }
0xc8: {  	s1 =	simm.s32 $0x3;
	[sflag:s18] =	ssyncadd.s32 @!p2 $0xFFFFFF83  }
0xc9: {  	[tilespmem:s28], [sflag:$0x8] =	stream.indirect.gather [hbm4b:s5+s19], $0x40, s23, s19, $0xb8;
	[tilespmem:$0x1ED20] =	vst v63  }
0xca: {  	_ =	swait.ge [sflag:s1], $0x1F40  }
0xcb: {  	s18 =	sadd.s32 $0x2900, s31;
	[sflag:s1] =	ssyncset.done $0x0  }
0xcc: {  	[sflag:s1] =	ssyncadd.s32 $0xFFFFE0C0;
	s1 =	simm.s32 $0x8E80  }
0xcd: {  	[spmem:s2] =	stream.indirect.scatter.add.f32 [tilespmem:s1], [sflag:$0xB], $0x40, s18, s19, $0xb8;
	[tilespmem:$0x1ED20] =	vst v63  }
0xce: {  	_ = 	snop  }
0xcf: {  	[spmem:s3] =	stream.indirect.scatter.add.f32 [tilespmem:s0], [sflag:$0x13], $0x1, s18, s19, $0xb8;
	[tilespmem:$0x1ED20] =	vst v63  }
0xd0: {  	_ =	swait.ge [sflag:s30], $0x1F40  }
0xd1: {  	s18 =	sadd.s32 $0xFFFFFFFB, s26;
	[sflag:s30] =	ssyncset.done $0x0  }
0xd2: {  	p2 =	sgt.u32 s18, $0x49;
	[sflag:s30] =	ssyncadd.s32 $0xFFFFE0C0  }
0xd3: {  	s18 =	sshra.s32 @!p2 s29, $0x2;
	s23 =	simm.s32 @!p2 $0x5000;
	_ =	swait.ge [sflag:s6], $0x7D  }
0xd4: {  	s1 =	simm.s32 @!p2 $0x7D;
	s18 =	sadd.s32 @!p2 $0x400, s18;
	[sflag:s6] =	ssyncset.done $0x0  }
0xd5: {  	[sflag:s6] =	ssyncadd.s32 $0xFFFFFF83  }
0xd6: {  	[tilespmem:s23], [sflag:$0x1] =	stream.indirect.gather @!p2 [hbm4b:s5+s1], $0x40, s18, s1, $0xb8;
	[tilespmem:$0x1ED20] =	vst v63  }
0xd7: {  	_ =	swait.ge [sflag:s7], $0x1F40  }
0xd8: {  	s1 =	sadd.s32 $0x2980, s31;
	[sflag:s7] =	ssyncset.done $0x0  }
0xd9: {  	s18 =	simm.s32 $0xADC0;
	[sflag:s7] =	ssyncadd.s32 $0xFFFFE0C0  }
0xda: {  	[spmem:s2] =	stream.indirect.scatter.add.f32 [tilespmem:s18], [sflag:$0xC], $0x40, s1, s19, $0xb8;
	[tilespmem:$0x1ED20] =	vst v63  }
0xdb: {  	_ = 	snop  }
0xdc: {  	[spmem:s3] =	stream.indirect.scatter.add.f32 [tilespmem:s0], [sflag:$0x14], $0x1, s1, s19, $0xb8;
	[tilespmem:$0x1ED20] =	vst v63  }
0xdd: {  	_ =	swait.ge [sflag:s8], $0x1F40  }
0xde: {  	s1 =	sadd.s32 $0xFFFFFFFC, s26;
	[sflag:s8] =	ssyncset.done $0x0  }
0xdf: {  	p2 =	sgt.u32 s1, $0x49;
	[sflag:s8] =	ssyncadd.s32 $0xFFFFE0C0  }
0xe0: {  	s1 =	sshra.s32 @!p2 s29, $0x2;
	s18 =	simm.s32 @!p2 $0x6F40;
	_ =	swait.ge [sflag:s9], $0x7D  }
0xe1: {  	s23 =	simm.s32 @!p2 $0x7D;
	s1 =	sadd.s32 @!p2 $0x480, s1;
	[sflag:s9] =	ssyncset.done $0x0  }
0xe2: {  	[sflag:s9] =	ssyncadd.s32 $0xFFFFFF83  }
0xe3: {  	[tilespmem:s18], [sflag:$0x2] =	stream.indirect.gather @!p2 [hbm4b:s5+s23], $0x40, s1, s23, $0xb8;
	[tilespmem:$0x1ED20] =	vst v63  }
0xe4: {  	_ =	swait.ge [sflag:s10], $0x1F40  }
0xe5: {  	s1 =	sadd.s32 $0x2A00, s31;
	[sflag:s10] =	ssyncset.done $0x0  }
0xe6: {  	s18 =	simm.s32 $0xCD00;
	[sflag:s10] =	ssyncadd.s32 $0xFFFFE0C0  }
0xe7: {  	[spmem:s2] =	stream.indirect.scatter.add.f32 [tilespmem:s18], [sflag:$0xD], $0x40, s1, s19, $0xb8;
	[tilespmem:$0x1ED20] =	vst v63  }
0xe8: {  	_ = 	snop  }
0xe9: {  	[spmem:s3] =	stream.indirect.scatter.add.f32 [tilespmem:s0], [sflag:$0x15], $0x1, s1, s19, $0xb8;
	[tilespmem:$0x1ED20] =	vst v63  }
0xea: {  	_ =	swait.ge [sflag:s11], $0x1F40  }
0xeb: {  	s1 =	sadd.s32 $0xFFFFFFFD, s26;
	[sflag:s11] =	ssyncset.done $0x0  }
0xec: {  	p2 =	sgt.u32 s1, $0x49;
	[sflag:s11] =	ssyncadd.s32 $0xFFFFE0C0  }
0xed: {  	s1 =	sshra.s32 @!p2 s29, $0x2;
	s18 =	simm.s32 @!p2 $0x8E80;
	_ =	swait.ge [sflag:s12], $0x7D  }
0xee: {  	s23 =	simm.s32 @!p2 $0x7D;
	s1 =	sadd.s32 @!p2 $0x500, s1;
	[sflag:s12] =	ssyncset.done $0x0  }
0xef: {  	[sflag:s12] =	ssyncadd.s32 $0xFFFFFF83  }
0xf0: {  	[tilespmem:s18], [sflag:$0x3] =	stream.indirect.gather @!p2 [hbm4b:s5+s23], $0x40, s1, s23, $0xb8;
	[tilespmem:$0x1ED20] =	vst v63  }
0xf1: {  	_ =	swait.ge [sflag:s13], $0x1F40  }
0xf2: {  	s1 =	sadd.s32 $0x2A80, s31;
	[sflag:s13] =	ssyncset.done $0x0  }
0xf3: {  	s18 =	simm.s32 $0xEC40;
	[sflag:s13] =	ssyncadd.s32 $0xFFFFE0C0  }
0xf4: {  	[spmem:s2] =	stream.indirect.scatter.add.f32 [tilespmem:s18], [sflag:$0xE], $0x40, s1, s19, $0xb8;
	[tilespmem:$0x1ED20] =	vst v63  }
0xf5: {  	_ = 	snop  }
0xf6: {  	[spmem:s3] =	stream.indirect.scatter.add.f32 [tilespmem:s0], [sflag:$0x16], $0x1, s1, s19, $0xb8;
	[tilespmem:$0x1ED20] =	vst v63  }
0xf7: {  	_ =	swait.ge [sflag:s14], $0x1F40  }
0xf8: {  	s1 =	sadd.s32 $0xFFFFFFFE, s26;
	[sflag:s14] =	ssyncset.done $0x0  }
0xf9: {  	p2 =	sgt.u32 s1, $0x49;
	[sflag:s14] =	ssyncadd.s32 $0xFFFFE0C0  }
0xfa: {  	s1 =	sshra.s32 @!p2 s29, $0x2;
	s18 =	simm.s32 @!p2 $0xADC0;
	_ =	swait.ge [sflag:s4], $0x7D  }
0xfb: {  	s23 =	simm.s32 @!p2 $0x7D;
	s1 =	sadd.s32 @!p2 $0x580, s1;
	[sflag:s4] =	ssyncset.done $0x0  }
0xfc: {  	[sflag:s4] =	ssyncadd.s32 $0xFFFFFF83  }
0xfd: {  	[tilespmem:s18], [sflag:$0x4] =	stream.indirect.gather @!p2 [hbm4b:s5+s23], $0x40, s1, s23, $0xb8;
	[tilespmem:$0x1ED20] =	vst v63  }
0xfe: {  	_ =	swait.ge [sflag:s15], $0x1F40  }
0xff: {  	s1 =	sadd.s32 $0x2B00, s31;
	[sflag:s15] =	ssyncset.done $0x0  }
0x100: {  	[sflag:s15] =	ssyncadd.s32 $0xFFFFE0C0  }
0x101: {  	[spmem:s2] =	stream.indirect.scatter.add.f32 [tilespmem:s25], [sflag:$0xF], $0x40, s1, s19, $0xb8;
	[tilespmem:$0x1ED20] =	vst v63  }
0x102: {  	_ = 	snop  }
0x103: {  	[spmem:s3] =	stream.indirect.scatter.add.f32 [tilespmem:s0], [sflag:$0x17], $0x1, s1, s19, $0xb8;
	[tilespmem:$0x1ED20] =	vst v63  }
0x104: {  	_ =	swait.ge [sflag:s16], $0x1F40  }
0x105: {  	s1 =	sadd.s32 $0xFFFFFFFF, s26;
	[sflag:s16] =	ssyncset.done $0x0  }
0x106: {  	p2 =	sgt.u32 s1, $0x49;
	[sflag:s16] =	ssyncadd.s32 $0xFFFFE0C0  }
0x107: {  	s1 =	sshra.s32 @!p2 s29, $0x2;
	s18 =	simm.s32 @!p2 $0xCD00;
	_ =	swait.ge [sflag:s17], $0x7D  }
0x108: {  	s23 =	simm.s32 @!p2 $0x7D;
	s1 =	sadd.s32 @!p2 $0x600, s1;
	[sflag:s17] =	ssyncset.done $0x0  }
0x109: {  	[sflag:s17] =	ssyncadd.s32 $0xFFFFFF83  }
0x10a: {  	[tilespmem:s18], [sflag:$0x5] =	stream.indirect.gather @!p2 [hbm4b:s5+s23], $0x40, s1, s23, $0xb8;
	[tilespmem:$0x1ED20] =	vst v63  }
0x10b: {  	_ =	swait.ge [sflag:s20], $0x1F40  }
0x10c: {  	s1 =	sadd.s32 $0x2B80, s31;
	[sflag:s20] =	ssyncset.done $0x0  }
0x10d: {  	[sflag:s20] =	ssyncadd.s32 $0xFFFFE0C0  }
0x10e: {  	[spmem:s2] =	stream.indirect.scatter.add.f32 [tilespmem:s28], [sflag:$0x10], $0x40, s1, s19, $0xb8;
	[tilespmem:$0x1ED20] =	vst v63  }
0x10f: {  	_ = 	snop  }
0x110: {  	[spmem:s3] =	stream.indirect.scatter.add.f32 [tilespmem:s0], [sflag:$0x18], $0x1, s1, s19, $0xb8;
	[tilespmem:$0x1ED20] =	vst v63  }
.Ltmp0:
0x111: {  	_ =	swait.ge [sflag:s22], $0x1F40;
	(pc) =	sbr.rel @p1 .LBB2_2-.Ltmp0, $4  }
0x112: {  	p2 =	sgt.u32 s26, $0x49;
	[sflag:s22] =	ssyncset.done $0x0  }
0x113: {  	s31 =	simm.s32 @!p2 $0xEC40;
	[sflag:s22] =	ssyncadd.s32 $0xFFFFE0C0  }
0x114: {  	s23 =	simm.s32 @!p2 $0x7D;
	s1 =	sshra.s32 @!p2 s29, $0x2;
	_ =	swait.ge [sflag:s21], $0x7D  }
0x115: {  	s29 =	simm.s32 $0x16;
	s18 =	sadd.s32 @!p2 $0x680, s1;
	[sflag:s21] =	ssyncset.done $0x0  }
0x116: {  	[sflag:s29] =	ssyncadd.s32 $0xFFFFFF83;
	s1 =	simm.s32 $0xF  }
0x117: {  	[tilespmem:s31], [sflag:$0x6] =	stream.indirect.gather @!p2 [hbm4b:s5+s23], $0x40, s18, s23, $0xb8;
	[tilespmem:$0x1ED20] =	vst v63  }
0x118: {  	_ =	swait.ge [sflag:s1], $0x1F40  }
0x119: {  	[sflag:s1] =	ssyncset.done $0x0  }
0x11a: {  	s18 =	simm.s32 $0x17;
	[sflag:s1] =	ssyncadd.s32 $0xFFFFE0C0  }
0x11b: {  	_ =	swait.ge [sflag:s18], $0x7D  }
0x11c: {  	[sflag:s18] =	ssyncset.done $0x0  }
0x11d: {  	s21 =	simm.s32 $0x10;
	[sflag:s18] =	ssyncadd.s32 $0xFFFFFF83  }
0x11e: {  	_ =	swait.ge [sflag:s21], $0x1F40  }
0x11f: {  	[sflag:s21] =	ssyncset.done $0x0  }
0x120: {  	s23 =	simm.s32 $0x18;
	[sflag:s21] =	ssyncadd.s32 $0xFFFFE0C0  }
0x121: {  	_ =	swait.ge [sflag:s23], $0x7D  }
0x122: {  	[sflag:s23] =	ssyncset.done $0x0  }
0x123: {  	[sflag:s23] =	ssyncadd.s32 $0xFFFFFF83  }
0x124: {  	[bflag:$0x0] =	sbarrier.arrive $0xFFFF  }
0x125: {  	s24 =	rddreg [dreg:$0xa]  }
0x126: {  	s1 =	simm.s32 @!p0 $0x1;
	s26 =	rddreg [dreg:$0xe]  }
0x127: {  	s18 =	simm.s32 @!p0 $0x10;
	s23 =	simm.s32 @!p0 $0x8;
	s29 =	rddreg [dreg:$0xf]  }
0x128: {  	[hbm:s24@s18], [sflag:s26] =	dma.strided @!p0 [spmem:s29@s23], $0x1F40, s1, $0x8   }
0x129: {  	s1 =	simm.s32 @!p0 $0x19  }
0x12a: {  	_ =	swait.ge @!p0 [sflag:s1], $0x1F40  }
0x12b: {  	[sflag:s1] =	ssyncset.done @!p0 $0x0  }
0x12c: {  	s18 =	simm.s32 @!p0 $0x14A80;
	s23 =	rddreg [dreg:$0xb];
	[sflag:s1] =	ssyncadd.s32 @!p0 $0xFFFFE0C0  }
0x12d: {  	[tilespmem:s18], [sflag:$0x19] =	stream.linear.gather @!p0 [spmem:s23], $0x3E8, $0x38;
	[tilespmem:$0x1ED20] =	vst v63  }
0x12e: {  	_ =	swait.ge @!p0 [sflag:s1], $0x3E8  }
0x12f: {  	[sflag:s1] =	ssyncset.done @!p0 $0x0  }
0x130: {  	s23 =	simm.s32 @!p0 $0x0;
	s24 =	rddreg [dreg:$0xd];
	[sflag:s1] =	ssyncadd.s32 @!p0 $0xFFFFFC18  }
0x131: {  	[hbm4b:s24+s23] =	stream.linear.scatter @!p0 [tilespmem:s18], [sflag:$0x19], $0x3E8, $0x38;
	[tilespmem:$0x1ED20] =	vst v63  }
0x132: {  	_ =	swait.ge @!p0 [sflag:s1], $0x3E8  }
0x133: {  	s4 =	rddreg [dreg:$0x10]  }
0x134: {  	s24 =	rddreg [dreg:$0xc];
	s4 =	sadd.s32 $0x1, s4  }
0x135: {  	p1 =	sne.s32 s4, s24  }
.Ltmp1:
0x136: {  	_ = 	snop;
	(pc) =	sbr.rel @p1 .LBB2_1-.Ltmp1, $3  }
0x137: {  	_ =	sdelay $0x1  }
0x138: {  	[sflag:s1] =	ssyncset.done @!p0 $0x0  }
0x139: {  	s31 =	simm.s32 $0x5000;
	[sflag:s1] =	ssyncadd.s32 @!p0 $0xFFFFFC18  }
0x13a: {  	_ =	sfence.sel $0x180000  }
0x13b: {  	[bflag:$0x0] =	sbarrier.arrive $0xFFFF  }
0x13c: {  	_ =	strace $0x90000047  }
0x13d: {  	s0 =	stileid.u32;
	[bflag:$0x2] =	sbarrier.arrive $0xFFFF  }
0x13e: {  	p0 =	sne.s32 s0, $0x0;
	s0 =	rddreg [dreg:$0x4]  }
0x13f: {  	s0 =	sadd.s32 @!p0 $0x100000, s0  }
0x140: {  	[sflag:s0] =	ssyncadd.tile.s32 @!p0 $0x1;
	_ =	shalt  }
.Lfunc_end2:
_tile_overlayer_lowered:
.L_overlay_start_2:
0x141: {  	(tag) =	ssettag $0x2  }
0x142: {  	s0 =	rddreg [dreg:$0x0];
	s2 =	stileid.u32  }
0x143: {  	s1 =	rddreg [dreg:$0x1];
	p0 =	sne.s32 s2, $0x0  }
0x144: {  	s3 =	rddreg [dreg:$0x2];
	[bflag:$0x3] =	sbarrier.arrive $0xFFFF;
	s2 =	simm.s32 @!p0 $0x1C19  }
0x145: {  	[timem:s3], [sflag:s2] =	dma.local @!p0 [hbm:s0], s1  }
0x146: {  	s0 =	simm.s32 @!p0 $0x19  }
0x147: {  	_ =	swait.ge @!p0 [sflag:s0], s1  }
0x148: {  	s1 =	ssub.s32 @!p0 $0x0, s1;
	[sflag:s0] =	ssyncset.done @!p0 $0x0  }
0x149: {  	[sflag:s0] =	ssyncadd.s32 @!p0 s1  }
0x14a: {  	[bflag:$0x3] =	sbarrier.arrive $0xFFFF  }
0x14b: {  	_ =	shalt  }

</sc_bundles>
